<compile_context>
chip_gen: v7x
topology: tpu7x:2x2x1
jax: 0.10.2.dev20260603
libtpu: 0.0.44.dev20260713+nightly
codegen_flags: <defaults>
</compile_context>

<pallas_src>
import functools

import jax
import jax.numpy as jnp
from jax import lax
from jax.experimental import pallas as pl
from jax.experimental.pallas import tpu as pltpu
from jax.experimental.pallas import tpu_sc as plsc

N = 10000
NP = 10240
E = 320000
F = 4
FLAT = F * NP
NC, NS = 2, 16
NW = NC * NS
EPW = E // NW
L = 16
U = 2
BLK = 1024
G = NP // BLK

_mesh = plsc.VectorSubcoreMesh(core_axis_name="c", subcore_axis_name="s")
_sc_params = pltpu.CompilerParams(needs_layout_passes=False)


@functools.partial(
    pl.kernel,
    out_type=jax.ShapeDtypeStruct((NW, NP), jnp.float32),
    mesh=_mesh,
    scratch_types=[
        pltpu.VMEM((EPW,), jnp.int32),
        pltpu.VMEM((NP,), jnp.float32),
        pltpu.SemaphoreType.DMA,
    ],
    compiler_params=_sc_params,
)
def _deg_kernel(ei_hbm, out_hbm, col_v, acc_v, sem):
    wid = lax.axis_index("s") * NC + lax.axis_index("c")
    cp = pltpu.async_copy(ei_hbm.at[pl.ds(E + wid * EPW, EPW)], col_v, sem)
    zeros = jnp.zeros((L,), jnp.float32)

    def zbody(i, carry):
        for u in range(4):
            acc_v[pl.ds((i * 4 + u) * L, L)] = zeros
        return carry

    lax.fori_loop(0, NP // (L * 4), zbody, 0)
    cp.wait()
    ones = jnp.ones((L,), jnp.float32)

    def ebody(i, carry):
        for u in range(4):
            cols = col_v[pl.ds((i * 4 + u) * L, L)]
            plsc.addupdate_scatter(acc_v, [cols], ones)
        return carry

    lax.fori_loop(0, EPW // (L * 4), ebody, 0)
    pltpu.sync_copy(acc_v, out_hbm.at[wid])


@functools.partial(
    pl.kernel,
    out_type=jax.ShapeDtypeStruct((NW, FLAT), jnp.float32),
    mesh=_mesh,
    scratch_types=[
        pltpu.VMEM((EPW,), jnp.int32),
        pltpu.VMEM((EPW,), jnp.int32),
        pltpu.VMEM((FLAT,), jnp.float32),
        pltpu.VMEM((FLAT,), jnp.float32),
        pltpu.SemaphoreType.DMA,
        pltpu.SemaphoreType.DMA,
        pltpu.SemaphoreType.DMA,
    ],
    compiler_params=_sc_params,
)
def _agg_kernel(y_hbm, ei_hbm, out_hbm, row_v, col_v, y_v, acc_v,
                sem_y, sem_r, sem_c):
    wid = lax.axis_index("s") * NC + lax.axis_index("c")
    base = wid * EPW
    cp_y = pltpu.async_copy(y_hbm, y_v, sem_y)
    cp_r = pltpu.async_copy(ei_hbm.at[pl.ds(base, EPW)], row_v, sem_r)
    cp_c = pltpu.async_copy(ei_hbm.at[pl.ds(E + base, EPW)], col_v, sem_c)
    zeros = jnp.zeros((L,), jnp.float32)

    def zbody(i, carry):
        for u in range(4):
            acc_v[pl.ds((i * 4 + u) * L, L)] = zeros
        return carry

    lax.fori_loop(0, FLAT // (L * 4), zbody, 0)
    cp_y.wait()
    cp_r.wait()
    cp_c.wait()

    def ebody(i, carry):
        b = i * (L * U)
        rs = [row_v[pl.ds(b + u * L, L)] for u in range(U)]
        cs = [col_v[pl.ds(b + u * L, L)] for u in range(U)]
        vals = [plsc.load_gather(y_v, [rs[u] + f * NP])
                for u in range(U) for f in range(F)]
        for u in range(U):
            for f in range(F):
                plsc.addupdate_scatter(acc_v, [cs[u] + f * NP], vals[u * F + f])
        return carry

    lax.fori_loop(0, EPW // (L * U), ebody, 0)
    pltpu.sync_copy(acc_v, out_hbm.at[wid])


def _prep_body(x_ref, w1t_ref, degp_ref, y1_ref, dinv_ref):
    xw_t = lax.dot_general(w1t_ref[...], x_ref[...], (((1,), (1,)), ((), ())),
                           preferred_element_type=jnp.float32)
    deg = 1.0 + jnp.sum(degp_ref[...], axis=0, keepdims=True)
    dinv = lax.rsqrt(deg)
    dinv_ref[...] = dinv
    y1_ref[...] = xw_t * jnp.broadcast_to(dinv, (F, BLK))


def _prep(x, w1t, deg_p):
    return pl.pallas_call(
        _prep_body,
        grid=(G,),
        in_specs=[
            pl.BlockSpec((BLK, 128), lambda i: (i, 0)),
            pl.BlockSpec((F, 128), lambda i: (0, 0)),
            pl.BlockSpec((NW, BLK), lambda i: (0, i)),
        ],
        out_specs=[
            pl.BlockSpec((F, BLK), lambda i: (0, i)),
            pl.BlockSpec((1, BLK), lambda i: (0, i)),
        ],
        out_shape=[
            jax.ShapeDtypeStruct((F, NP), jnp.float32),
            jax.ShapeDtypeStruct((1, NP), jnp.float32),
        ],
    )(x, w1t, deg_p)


def _mid_body(p_ref, y_ref, dinv_ref, wt_ref, b_ref, ynext_ref):
    agg = jnp.sum(p_ref[...], axis=0) + y_ref[...]
    dinv = jnp.broadcast_to(dinv_ref[...], (F, BLK))
    h = jnp.tanh(dinv * agg + b_ref[...])
    ynext_ref[...] = dinv * lax.dot_general(
        wt_ref[...], h, (((1,), (0,)), ((), ())),
        preferred_element_type=jnp.float32)


def _mid(p, y, dinv, wt, bmat):
    return pl.pallas_call(
        _mid_body,
        grid=(G,),
        in_specs=[
            pl.BlockSpec((NW, F, BLK), lambda i: (0, 0, i)),
            pl.BlockSpec((F, BLK), lambda i: (0, i)),
            pl.BlockSpec((1, BLK), lambda i: (0, i)),
            pl.BlockSpec((F, F), lambda i: (0, 0)),
            pl.BlockSpec((F, BLK), lambda i: (0, i)),
        ],
        out_specs=pl.BlockSpec((F, BLK), lambda i: (0, i)),
        out_shape=jax.ShapeDtypeStruct((F, NP), jnp.float32),
    )(p, y, dinv, wt, bmat)


def _fin_body(p_ref, y_ref, dinv_ref, b_ref, wct_ref, bc_ref, h_ref, r_ref):
    agg = jnp.sum(p_ref[...], axis=0) + y_ref[...]
    dinv = jnp.broadcast_to(dinv_ref[...], (F, BLK))
    h = jnp.tanh(dinv * agg + b_ref[...])
    h_ref[...] = lax.transpose(h, (1, 0))
    r = lax.dot_general(wct_ref[...], h, (((1,), (0,)), ((), ())),
                        preferred_element_type=jnp.float32) + bc_ref[...]
    r_ref[...] = lax.transpose(r, (1, 0))


def _fin(p, y, dinv, bmat, wct, bcmat):
    return pl.pallas_call(
        _fin_body,
        grid=(G,),
        in_specs=[
            pl.BlockSpec((NW, F, BLK), lambda i: (0, 0, i)),
            pl.BlockSpec((F, BLK), lambda i: (0, i)),
            pl.BlockSpec((1, BLK), lambda i: (0, i)),
            pl.BlockSpec((F, BLK), lambda i: (0, i)),
            pl.BlockSpec((8, F), lambda i: (0, 0)),
            pl.BlockSpec((8, BLK), lambda i: (0, i)),
        ],
        out_specs=[
            pl.BlockSpec((BLK, F), lambda i: (i, 0)),
            pl.BlockSpec((BLK, 8), lambda i: (i, 0)),
        ],
        out_shape=[
            jax.ShapeDtypeStruct((NP, F), jnp.float32),
            jax.ShapeDtypeStruct((NP, 8), jnp.float32),
        ],
    )(p, y, dinv, bmat, wct, bcmat)


def kernel(x, edge_index, W1, b1, W2, b2, W3, b3, Wc, bc):
    ei = edge_index.astype(jnp.int32).reshape(2 * E)

    w1t = W1.T
    w2t = W2.T
    w3t = jnp.pad(W3.T, ((0, F - W3.shape[1]), (0, 0)))
    wct = jnp.pad(Wc.T, ((0, 0), (0, F - Wc.shape[0])))
    b1m = jnp.broadcast_to(b1[:, None], (F, NP))
    b2m = jnp.broadcast_to(b2[:, None], (F, NP))
    b3m = jnp.broadcast_to(jnp.pad(b3, (0, F - b3.shape[0]))[:, None], (F, NP))
    bcm = jnp.broadcast_to(bc[:, None], (8, NP))

    deg_p = _deg_kernel(ei)
    y1, dinv = _prep(x, w1t, deg_p)

    p1 = _agg_kernel(y1.reshape(FLAT), ei).reshape(NW, F, NP)
    y2 = _mid(p1, y1, dinv, w2t, b1m)

    p2 = _agg_kernel(y2.reshape(FLAT), ei).reshape(NW, F, NP)
    y3 = _mid(p2, y2, dinv, w3t, b2m)

    p3 = _agg_kernel(y3.reshape(FLAT), ei).reshape(NW, F, NP)
    h_nm, r_nm = _fin(p3, y3, dinv, b3m, wct, bcm)

    return (r_nm[:N], h_nm[:N, :2])

# --- scband reference (transcript-rebuilt; emitter-appended) ---
"""Pipeline reference for scband-gcn-70093866270993 (READ-ONLY COPY).

The authoritative reference and input builder live on the scoring server;
editing this copy changes nothing except your own understanding.
"""

import jax, jax.numpy as jnp
import numpy as np

N_NODES = 10000
NUM_CLASSES = 8


def gcn_conv(x, edge_index, W, b):
    # x' = D^{-1/2} (A + I) D^{-1/2} (X W) + b   (Kipf & Welling GCN, PyG GCNConv semantics)
    xw = x @ W
    loops = jnp.arange(N_NODES, dtype=edge_index.dtype)
    row = jnp.concatenate([edge_index[0], loops])  # src
    col = jnp.concatenate([edge_index[1], loops])  # dst
    ones = jnp.ones(row.shape[0], dtype=x.dtype)
    deg = jax.ops.segment_sum(ones, col, num_segments=N_NODES)
    dinv = jnp.where(deg > 0, deg ** -0.5, 0.0)
    norm = dinv[row] * dinv[col]
    msgs = xw[row] * norm[:, None]
    out = jax.ops.segment_sum(msgs, col, num_segments=N_NODES)
    return out + b


def setup_inputs(seed: int = 0) -> dict:
    key = jax.random.key(seed)
    ks = jax.random.split(key, 12)
    x = jax.random.normal(ks[0], (N_NODES, 128), dtype=jnp.float32)
    edge_index = jax.random.randint(ks[1], (2, 320000), 0, N_NODES, dtype=jnp.int64)
    W1 = jax.random.normal(ks[2], (128, 4), dtype=jnp.float32) * (1.0 / np.sqrt(128))
    b1 = jnp.zeros((4,), dtype=jnp.float32)
    W2 = jax.random.normal(ks[3], (4, 4), dtype=jnp.float32) * 0.5
    b2 = jnp.zeros((4,), dtype=jnp.float32)
    W3 = jax.random.normal(ks[4], (4, 2), dtype=jnp.float32) * 0.5
    b3 = jnp.zeros((2,), dtype=jnp.float32)
    Wc = jax.random.normal(ks[5], (2, NUM_CLASSES), dtype=jnp.float32) * 0.7
    bc = jnp.zeros((NUM_CLASSES,), dtype=jnp.float32)
    return {"x": x, "edge_index": edge_index, "W1": W1, "b1": b1, "W2": W2, "b2": b2, "W3": W3, "b3": b3, "Wc": Wc, "bc": bc}


def reference(x, edge_index, W1, b1, W2, b2, W3, b3, Wc, bc):
    h = jnp.tanh(gcn_conv(x, edge_index, W1, b1))
    h = jnp.tanh(gcn_conv(h, edge_index, W2, b2))
    h = jnp.tanh(gcn_conv(h, edge_index, W3, b3))
    result = h @ Wc + bc
    return (result, h)

if __name__ == "__main__":
    import jax
    _d = setup_inputs()
    print(jax.jit(kernel)(*tuple(_d.values())))

</pallas_src>

<mosaic_0001>
#map = affine_map<(d0, d1) -> (0)>
#map1 = affine_map<(d0, d1) -> (0, 0)>
module attributes {stable_mosaic.version = 14 : i64} {
  func.func @_agg_kernel(%arg0: i32, %arg1: i32, %arg2: memref<40960xf32, #tpu.memory_space<hbm>>, %arg3: memref<640000xi32, #tpu.memory_space<hbm>>, %arg4: memref<32x40960xf32, #tpu.memory_space<hbm>>, %arg5: memref<10000xi32, #tpu.memory_space<vmem>>, %arg6: memref<10000xi32, #tpu.memory_space<vmem>>, %arg7: memref<40960xf32, #tpu.memory_space<vmem>>, %arg8: memref<40960xf32, #tpu.memory_space<vmem>>, %arg9: memref<!tpu.dma_semaphore, #tpu.memory_space<semaphore_mem>>, %arg10: memref<!tpu.dma_semaphore, #tpu.memory_space<semaphore_mem>>, %arg11: memref<!tpu.dma_semaphore, #tpu.memory_space<semaphore_mem>>) attributes {dimension_semantics = [#tpu.dimension_semantics<core_parallel>, #tpu.dimension_semantics<subcore_parallel>], iteration_bounds = array<i64: 2, 16>, scalar_prefetch = 0 : i64, scratch_operands = 7 : i64, tpu.core_type = #tpu.core_type<sc_vector_subcore>, window_params = [{transform_indices = #map}, {transform_indices = #map}, {transform_indices = #map1}]} {
    %mul3A = arith.constant 2 : i32
    %mul3A_0 = arith.muli %arg1, %mul3A : i32
    %add3A = arith.addi %mul3A_0, %arg0 : i32
    %mul3A_1 = arith.constant 10000 : i32
    %mul3A_2 = arith.muli %add3A, %mul3A_1 : i32
    tpu.enqueue_dma source(%arg2 : memref<40960xf32, #tpu.memory_space<hbm>>) target(%arg7 : memref<40960xf32, #tpu.memory_space<vmem>>) target_semaphore(%arg9 : memref<!tpu.dma_semaphore, #tpu.memory_space<semaphore_mem>>)
    %dma_start3A = tpu.memref_slice %arg3[%mul3A_2] : memref<640000xi32, #tpu.memory_space<hbm>> -> memref<10000xi32, #tpu.memory_space<hbm>>
    %dma_start3A_3 = tpu.memref_slice %arg3[%mul3A_2] : memref<640000xi32, #tpu.memory_space<hbm>> -> memref<10000xi32, #tpu.memory_space<hbm>>
    tpu.enqueue_dma source(%dma_start3A_3 : memref<10000xi32, #tpu.memory_space<hbm>>) target(%arg5 : memref<10000xi32, #tpu.memory_space<vmem>>) target_semaphore(%arg10 : memref<!tpu.dma_semaphore, #tpu.memory_space<semaphore_mem>>)
    %add3A_4 = arith.constant 320000 : i32
    %add3A_5 = arith.addi %add3A_4, %mul3A_2 : i32
    %dma_start3A_6 = tpu.memref_slice %arg3[%add3A_5] : memref<640000xi32, #tpu.memory_space<hbm>> -> memref<10000xi32, #tpu.memory_space<hbm>>
    %dma_start3A_7 = tpu.memref_slice %arg3[%add3A_5] : memref<640000xi32, #tpu.memory_space<hbm>> -> memref<10000xi32, #tpu.memory_space<hbm>>
    tpu.enqueue_dma source(%dma_start3A_7 : memref<10000xi32, #tpu.memory_space<hbm>>) target(%arg6 : memref<10000xi32, #tpu.memory_space<vmem>>) target_semaphore(%arg11 : memref<!tpu.dma_semaphore, #tpu.memory_space<semaphore_mem>>)
    %broadcast_in_dim3A = arith.constant 0.000000e+00 : f32
    %broadcast_in_dim3A_8 = vector.broadcast %broadcast_in_dim3A : f32 to vector<16xf32>
    %scan3A = arith.constant 0 : i32
    %scan3A_9 = arith.constant 0 : i32
    %scan3A_10 = arith.constant 640 : i32
    %scan3A_11 = arith.addi %scan3A_9, %scan3A_10 : i32
    %scan3A_12 = arith.constant 1 : i32
    scf.for %scan3A_23 = %scan3A_9 to %scan3A_11 step %scan3A_12  : i32 {
      %mul3A_24 = arith.constant 4 : i32
      %mul3A_25 = arith.muli %scan3A_23, %mul3A_24 : i32
      %add3A_26 = arith.constant 0 : i32
      %add3A_27 = arith.addi %mul3A_25, %add3A_26 : i32
      %mul3A_28 = arith.constant 16 : i32
      %mul3A_29 = arith.muli %add3A_27, %mul3A_28 : i32
      %swap3A = arith.index_cast %mul3A_29 : i32 to index
      %swap3A_30 = tpu.vector_load %arg8[%swap3A] {strides = array<i32>} : memref<40960xf32, #tpu.memory_space<vmem>>, vector<16xf32>,
      tpu.vector_store %arg8[%swap3A], %broadcast_in_dim3A_8 {strides = array<i32>} : memref<40960xf32, #tpu.memory_space<vmem>>, vector<16xf32>,
      %mul3A_31 = arith.constant 4 : i32
      %mul3A_32 = arith.muli %scan3A_23, %mul3A_31 : i32
      %add3A_33 = arith.constant 1 : i32
      %add3A_34 = arith.addi %mul3A_32, %add3A_33 : i32
      %mul3A_35 = arith.constant 16 : i32
      %mul3A_36 = arith.muli %add3A_34, %mul3A_35 : i32
      %swap3A_37 = arith.index_cast %mul3A_36 : i32 to index
      %swap3A_38 = tpu.vector_load %arg8[%swap3A_37] {strides = array<i32>} : memref<40960xf32, #tpu.memory_space<vmem>>, vector<16xf32>,
      tpu.vector_store %arg8[%swap3A_37], %broadcast_in_dim3A_8 {strides = array<i32>} : memref<40960xf32, #tpu.memory_space<vmem>>, vector<16xf32>,
      %mul3A_39 = arith.constant 4 : i32
      %mul3A_40 = arith.muli %scan3A_23, %mul3A_39 : i32
      %add3A_41 = arith.constant 2 : i32
      %add3A_42 = arith.addi %mul3A_40, %add3A_41 : i32
      %mul3A_43 = arith.constant 16 : i32
      %mul3A_44 = arith.muli %add3A_42, %mul3A_43 : i32
      %swap3A_45 = arith.index_cast %mul3A_44 : i32 to index
      %swap3A_46 = tpu.vector_load %arg8[%swap3A_45] {strides = array<i32>} : memref<40960xf32, #tpu.memory_space<vmem>>, vector<16xf32>,
      tpu.vector_store %arg8[%swap3A_45], %broadcast_in_dim3A_8 {strides = array<i32>} : memref<40960xf32, #tpu.memory_space<vmem>>, vector<16xf32>,
      %mul3A_47 = arith.constant 4 : i32
      %mul3A_48 = arith.muli %scan3A_23, %mul3A_47 : i32
      %add3A_49 = arith.constant 3 : i32
      %add3A_50 = arith.addi %mul3A_48, %add3A_49 : i32
      %mul3A_51 = arith.constant 16 : i32
      %mul3A_52 = arith.muli %add3A_50, %mul3A_51 : i32
      %swap3A_53 = arith.index_cast %mul3A_52 : i32 to index
      %swap3A_54 = tpu.vector_load %arg8[%swap3A_53] {strides = array<i32>} : memref<40960xf32, #tpu.memory_space<vmem>>, vector<16xf32>,
      tpu.vector_store %arg8[%swap3A_53], %broadcast_in_dim3A_8 {strides = array<i32>} : memref<40960xf32, #tpu.memory_space<vmem>>, vector<16xf32>,
    }
    %scan3A_13 = arith.constant 640 : i32
    tpu.wait_dma2 semaphore(%arg9 : memref<!tpu.dma_semaphore, #tpu.memory_space<semaphore_mem>>) src(%arg2 : memref<40960xf32, #tpu.memory_space<hbm>>) dst(%arg7 : memref<40960xf32, #tpu.memory_space<vmem>>)
    %dma_wait3A = tpu.memref_slice %arg3[%mul3A_2] : memref<640000xi32, #tpu.memory_space<hbm>> -> memref<10000xi32, #tpu.memory_space<hbm>>
    %dma_wait3A_14 = tpu.memref_slice %arg3[%mul3A_2] : memref<640000xi32, #tpu.memory_space<hbm>> -> memref<10000xi32, #tpu.memory_space<hbm>>
    tpu.wait_dma2 semaphore(%arg10 : memref<!tpu.dma_semaphore, #tpu.memory_space<semaphore_mem>>) src(%dma_wait3A_14 : memref<10000xi32, #tpu.memory_space<hbm>>) dst(%arg5 : memref<10000xi32, #tpu.memory_space<vmem>>)
    %dma_wait3A_15 = tpu.memref_slice %arg3[%add3A_5] : memref<640000xi32, #tpu.memory_space<hbm>> -> memref<10000xi32, #tpu.memory_space<hbm>>
    %dma_wait3A_16 = tpu.memref_slice %arg3[%add3A_5] : memref<640000xi32, #tpu.memory_space<hbm>> -> memref<10000xi32, #tpu.memory_space<hbm>>
    tpu.wait_dma2 semaphore(%arg11 : memref<!tpu.dma_semaphore, #tpu.memory_space<semaphore_mem>>) src(%dma_wait3A_16 : memref<10000xi32, #tpu.memory_space<hbm>>) dst(%arg6 : memref<10000xi32, #tpu.memory_space<vmem>>)
    %scan3A_17 = arith.constant 0 : i32
    %scan3A_18 = arith.constant 0 : i32
    %scan3A_19 = arith.constant 312 : i32
    %scan3A_20 = arith.addi %scan3A_18, %scan3A_19 : i32
    %scan3A_21 = arith.constant 1 : i32
    scf.for %scan3A_23 = %scan3A_18 to %scan3A_20 step %scan3A_21  : i32 {
      %mul3A_24 = arith.constant 32 : i32
      %mul3A_25 = arith.muli %scan3A_23, %mul3A_24 : i32
      %add3A_26 = arith.constant 0 : i32
      %add3A_27 = arith.addi %mul3A_25, %add3A_26 : i32
      %get3A = arith.index_cast %add3A_27 : i32 to index
      %get3A_28 = tpu.vector_load %arg5[%get3A] {strides = array<i32>} : memref<10000xi32, #tpu.memory_space<vmem>>, vector<16xi32>,
      %add3A_29 = arith.constant 16 : i32
      %add3A_30 = arith.addi %mul3A_25, %add3A_29 : i32
      %get3A_31 = arith.index_cast %add3A_30 : i32 to index
      %get3A_32 = tpu.vector_load %arg5[%get3A_31] {strides = array<i32>} : memref<10000xi32, #tpu.memory_space<vmem>>, vector<16xi32>,
      %add3A_33 = arith.constant 0 : i32
      %add3A_34 = arith.addi %mul3A_25, %add3A_33 : i32
      %get3A_35 = arith.index_cast %add3A_34 : i32 to index
      %get3A_36 = tpu.vector_load %arg6[%get3A_35] {strides = array<i32>} : memref<10000xi32, #tpu.memory_space<vmem>>, vector<16xi32>,
      %add3A_37 = arith.constant 16 : i32
      %add3A_38 = arith.addi %mul3A_25, %add3A_37 : i32
      %get3A_39 = arith.index_cast %add3A_38 : i32 to index
      %get3A_40 = tpu.vector_load %arg6[%get3A_39] {strides = array<i32>} : memref<10000xi32, #tpu.memory_space<vmem>>, vector<16xi32>,
      %add3A_41 = arith.constant 0 : i32
      %add3A_42 = vector.broadcast %add3A_41 : i32 to vector<16xi32>
      %add3A_43 = arith.addi %get3A_28, %add3A_42 : vector<16xi32>
      %gather3A = tpu.vector_load_idx %arg7[%add3A_43] : memref<40960xf32, #tpu.memory_space<vmem>>[vector<16xi32>], vector<16xf32>,
      %add3A_44 = arith.constant 10240 : i32
      %add3A_45 = vector.broadcast %add3A_44 : i32 to vector<16xi32>
      %add3A_46 = arith.addi %get3A_28, %add3A_45 : vector<16xi32>
      %gather3A_47 = tpu.vector_load_idx %arg7[%add3A_46] : memref<40960xf32, #tpu.memory_space<vmem>>[vector<16xi32>], vector<16xf32>,
      %add3A_48 = arith.constant 20480 : i32
      %add3A_49 = vector.broadcast %add3A_48 : i32 to vector<16xi32>
      %add3A_50 = arith.addi %get3A_28, %add3A_49 : vector<16xi32>
      %gather3A_51 = tpu.vector_load_idx %arg7[%add3A_50] : memref<40960xf32, #tpu.memory_space<vmem>>[vector<16xi32>], vector<16xf32>,
      %add3A_52 = arith.constant 30720 : i32
      %add3A_53 = vector.broadcast %add3A_52 : i32 to vector<16xi32>
      %add3A_54 = arith.addi %get3A_28, %add3A_53 : vector<16xi32>
      %gather3A_55 = tpu.vector_load_idx %arg7[%add3A_54] : memref<40960xf32, #tpu.memory_space<vmem>>[vector<16xi32>], vector<16xf32>,
      %add3A_56 = arith.constant 0 : i32
      %add3A_57 = vector.broadcast %add3A_56 : i32 to vector<16xi32>
      %add3A_58 = arith.addi %get3A_32, %add3A_57 : vector<16xi32>
      %gather3A_59 = tpu.vector_load_idx %arg7[%add3A_58] : memref<40960xf32, #tpu.memory_space<vmem>>[vector<16xi32>], vector<16xf32>,
      %add3A_60 = arith.constant 10240 : i32
      %add3A_61 = vector.broadcast %add3A_60 : i32 to vector<16xi32>
      %add3A_62 = arith.addi %get3A_32, %add3A_61 : vector<16xi32>
      %gather3A_63 = tpu.vector_load_idx %arg7[%add3A_62] : memref<40960xf32, #tpu.memory_space<vmem>>[vector<16xi32>], vector<16xf32>,
      %add3A_64 = arith.constant 20480 : i32
      %add3A_65 = vector.broadcast %add3A_64 : i32 to vector<16xi32>
      %add3A_66 = arith.addi %get3A_32, %add3A_65 : vector<16xi32>
      %gather3A_67 = tpu.vector_load_idx %arg7[%add3A_66] : memref<40960xf32, #tpu.memory_space<vmem>>[vector<16xi32>], vector<16xf32>,
      %add3A_68 = arith.constant 30720 : i32
      %add3A_69 = vector.broadcast %add3A_68 : i32 to vector<16xi32>
      %add3A_70 = arith.addi %get3A_32, %add3A_69 : vector<16xi32>
      %gather3A_71 = tpu.vector_load_idx %arg7[%add3A_70] : memref<40960xf32, #tpu.memory_space<vmem>>[vector<16xi32>], vector<16xf32>,
      %add3A_72 = arith.constant 0 : i32
      %add3A_73 = vector.broadcast %add3A_72 : i32 to vector<16xi32>
      %add3A_74 = arith.addi %get3A_36, %add3A_73 : vector<16xi32>
      tpu.vector_store_idx %arg8[%add3A_74], %gather3A {add = true} : memref<40960xf32, #tpu.memory_space<vmem>>[vector<16xi32>], vector<16xf32>,
      %add3A_75 = arith.constant 10240 : i32
      %add3A_76 = vector.broadcast %add3A_75 : i32 to vector<16xi32>
      %add3A_77 = arith.addi %get3A_36, %add3A_76 : vector<16xi32>
      tpu.vector_store_idx %arg8[%add3A_77], %gather3A_47 {add = true} : memref<40960xf32, #tpu.memory_space<vmem>>[vector<16xi32>], vector<16xf32>,
      %add3A_78 = arith.constant 20480 : i32
      %add3A_79 = vector.broadcast %add3A_78 : i32 to vector<16xi32>
      %add3A_80 = arith.addi %get3A_36, %add3A_79 : vector<16xi32>
      tpu.vector_store_idx %arg8[%add3A_80], %gather3A_51 {add = true} : memref<40960xf32, #tpu.memory_space<vmem>>[vector<16xi32>], vector<16xf32>,
      %add3A_81 = arith.constant 30720 : i32
      %add3A_82 = vector.broadcast %add3A_81 : i32 to vector<16xi32>
      %add3A_83 = arith.addi %get3A_36, %add3A_82 : vector<16xi32>
      tpu.vector_store_idx %arg8[%add3A_83], %gather3A_55 {add = true} : memref<40960xf32, #tpu.memory_space<vmem>>[vector<16xi32>], vector<16xf32>,
      %add3A_84 = arith.constant 0 : i32
      %add3A_85 = vector.broadcast %add3A_84 : i32 to vector<16xi32>
      %add3A_86 = arith.addi %get3A_40, %add3A_85 : vector<16xi32>
      tpu.vector_store_idx %arg8[%add3A_86], %gather3A_59 {add = true} : memref<40960xf32, #tpu.memory_space<vmem>>[vector<16xi32>], vector<16xf32>,
      %add3A_87 = arith.constant 10240 : i32
      %add3A_88 = vector.broadcast %add3A_87 : i32 to vector<16xi32>
      %add3A_89 = arith.addi %get3A_40, %add3A_88 : vector<16xi32>
      tpu.vector_store_idx %arg8[%add3A_89], %gather3A_63 {add = true} : memref<40960xf32, #tpu.memory_space<vmem>>[vector<16xi32>], vector<16xf32>,
      %add3A_90 = arith.constant 20480 : i32
      %add3A_91 = vector.broadcast %add3A_90 : i32 to vector<16xi32>
      %add3A_92 = arith.addi %get3A_40, %add3A_91 : vector<16xi32>
      tpu.vector_store_idx %arg8[%add3A_92], %gather3A_67 {add = true} : memref<40960xf32, #tpu.memory_space<vmem>>[vector<16xi32>], vector<16xf32>,
      %add3A_93 = arith.constant 30720 : i32
      %add3A_94 = vector.broadcast %add3A_93 : i32 to vector<16xi32>
      %add3A_95 = arith.addi %get3A_40, %add3A_94 : vector<16xi32>
      tpu.vector_store_idx %arg8[%add3A_95], %gather3A_71 {add = true} : memref<40960xf32, #tpu.memory_space<vmem>>[vector<16xi32>], vector<16xf32>,
    }
    %scan3A_22 = arith.constant 312 : i32
    "tpu.region"() ({
      %run_scoped3A = tpu.sem_alloc : memref<!tpu.dma_semaphore, #tpu.memory_space<semaphore_mem>>
      %dma_start3A_23 = arith.constant 0 : i32
      %dma_start3A_24 = tpu.memref_slice %arg4[%add3A, %dma_start3A_23] : memref<32x40960xf32, #tpu.memory_space<hbm>> -> memref<1x40960xf32, #tpu.memory_space<hbm>>
      %dma_start3A_25 = tpu.memref_squeeze %dma_start3A_24 : memref<1x40960xf32, #tpu.memory_space<hbm>> -> memref<40960xf32, #tpu.memory_space<hbm>>
      %dma_start3A_26 = arith.constant 0 : i32
      %dma_start3A_27 = tpu.memref_slice %arg4[%add3A, %dma_start3A_26] : memref<32x40960xf32, #tpu.memory_space<hbm>> -> memref<1x40960xf32, #tpu.memory_space<hbm>>
      %dma_start3A_28 = tpu.memref_squeeze %dma_start3A_27 : memref<1x40960xf32, #tpu.memory_space<hbm>> -> memref<40960xf32, #tpu.memory_space<hbm>>
      tpu.enqueue_dma source(%arg8 : memref<40960xf32, #tpu.memory_space<vmem>>) target(%dma_start3A_28 : memref<40960xf32, #tpu.memory_space<hbm>>) target_semaphore(%run_scoped3A : memref<!tpu.dma_semaphore, #tpu.memory_space<semaphore_mem>>)
      %dma_wait3A_29 = arith.constant 0 : i32
      %dma_wait3A_30 = tpu.memref_slice %arg4[%add3A, %dma_wait3A_29] : memref<32x40960xf32, #tpu.memory_space<hbm>> -> memref<1x40960xf32, #tpu.memory_space<hbm>>
      %dma_wait3A_31 = tpu.memref_squeeze %dma_wait3A_30 : memref<1x40960xf32, #tpu.memory_space<hbm>> -> memref<40960xf32, #tpu.memory_space<hbm>>
      %dma_wait3A_32 = arith.constant 0 : i32
      %dma_wait3A_33 = tpu.memref_slice %arg4[%add3A, %dma_wait3A_32] : memref<32x40960xf32, #tpu.memory_space<hbm>> -> memref<1x40960xf32, #tpu.memory_space<hbm>>
      %dma_wait3A_34 = tpu.memref_squeeze %dma_wait3A_33 : memref<1x40960xf32, #tpu.memory_space<hbm>> -> memref<40960xf32, #tpu.memory_space<hbm>>
      tpu.wait_dma2 semaphore(%run_scoped3A : memref<!tpu.dma_semaphore, #tpu.memory_space<semaphore_mem>>) src(%arg8 : memref<40960xf32, #tpu.memory_space<vmem>>) dst(%dma_wait3A_34 : memref<40960xf32, #tpu.memory_space<hbm>>)
      tpu.yield
    }) : () -> ()
    return
  }
}

#map = affine_map<(d0, d1) -> (0)>
#map1 = affine_map<(d0, d1) -> (0, 0)>
module attributes {stable_mosaic.version = 14 : i64} {
  func.func @_deg_kernel(%arg0: i32, %arg1: i32, %arg2: memref<640000xi32, #tpu.memory_space<hbm>>, %arg3: memref<32x10240xf32, #tpu.memory_space<hbm>>, %arg4: memref<10000xi32, #tpu.memory_space<vmem>>, %arg5: memref<10240xf32, #tpu.memory_space<vmem>>, %arg6: memref<!tpu.dma_semaphore, #tpu.memory_space<semaphore_mem>>) attributes {dimension_semantics = [#tpu.dimension_semantics<core_parallel>, #tpu.dimension_semantics<subcore_parallel>], iteration_bounds = array<i64: 2, 16>, scalar_prefetch = 0 : i64, scratch_operands = 3 : i64, tpu.core_type = #tpu.core_type<sc_vector_subcore>, window_params = [{transform_indices = #map}, {transform_indices = #map1}]} {
    %mul3A = arith.constant 2 : i32
    %mul3A_0 = arith.muli %arg1, %mul3A : i32
    %add3A = arith.addi %mul3A_0, %arg0 : i32
    %mul3A_1 = arith.constant 10000 : i32
    %mul3A_2 = arith.muli %add3A, %mul3A_1 : i32
    %add3A_3 = arith.constant 320000 : i32
    %add3A_4 = arith.addi %add3A_3, %mul3A_2 : i32
    %dma_start3A = tpu.memref_slice %arg2[%add3A_4] : memref<640000xi32, #tpu.memory_space<hbm>> -> memref<10000xi32, #tpu.memory_space<hbm>>
    %dma_start3A_5 = tpu.memref_slice %arg2[%add3A_4] : memref<640000xi32, #tpu.memory_space<hbm>> -> memref<10000xi32, #tpu.memory_space<hbm>>
    tpu.enqueue_dma source(%dma_start3A_5 : memref<10000xi32, #tpu.memory_space<hbm>>) target(%arg4 : memref<10000xi32, #tpu.memory_space<vmem>>) target_semaphore(%arg6 : memref<!tpu.dma_semaphore, #tpu.memory_space<semaphore_mem>>)
    %broadcast_in_dim3A = arith.constant 0.000000e+00 : f32
    %broadcast_in_dim3A_6 = vector.broadcast %broadcast_in_dim3A : f32 to vector<16xf32>
    %scan3A = arith.constant 0 : i32
    %scan3A_7 = arith.constant 0 : i32
    %scan3A_8 = arith.constant 160 : i32
    %scan3A_9 = arith.addi %scan3A_7, %scan3A_8 : i32
    %scan3A_10 = arith.constant 1 : i32
    scf.for %scan3A_21 = %scan3A_7 to %scan3A_9 step %scan3A_10  : i32 {
      %mul3A_22 = arith.constant 4 : i32
      %mul3A_23 = arith.muli %scan3A_21, %mul3A_22 : i32
      %add3A_24 = arith.constant 0 : i32
      %add3A_25 = arith.addi %mul3A_23, %add3A_24 : i32
      %mul3A_26 = arith.constant 16 : i32
      %mul3A_27 = arith.muli %add3A_25, %mul3A_26 : i32
      %swap3A = arith.index_cast %mul3A_27 : i32 to index
      %swap3A_28 = tpu.vector_load %arg5[%swap3A] {strides = array<i32>} : memref<10240xf32, #tpu.memory_space<vmem>>, vector<16xf32>,
      tpu.vector_store %arg5[%swap3A], %broadcast_in_dim3A_6 {strides = array<i32>} : memref<10240xf32, #tpu.memory_space<vmem>>, vector<16xf32>,
      %mul3A_29 = arith.constant 4 : i32
      %mul3A_30 = arith.muli %scan3A_21, %mul3A_29 : i32
      %add3A_31 = arith.constant 1 : i32
      %add3A_32 = arith.addi %mul3A_30, %add3A_31 : i32
      %mul3A_33 = arith.constant 16 : i32
      %mul3A_34 = arith.muli %add3A_32, %mul3A_33 : i32
      %swap3A_35 = arith.index_cast %mul3A_34 : i32 to index
      %swap3A_36 = tpu.vector_load %arg5[%swap3A_35] {strides = array<i32>} : memref<10240xf32, #tpu.memory_space<vmem>>, vector<16xf32>,
      tpu.vector_store %arg5[%swap3A_35], %broadcast_in_dim3A_6 {strides = array<i32>} : memref<10240xf32, #tpu.memory_space<vmem>>, vector<16xf32>,
      %mul3A_37 = arith.constant 4 : i32
      %mul3A_38 = arith.muli %scan3A_21, %mul3A_37 : i32
      %add3A_39 = arith.constant 2 : i32
      %add3A_40 = arith.addi %mul3A_38, %add3A_39 : i32
      %mul3A_41 = arith.constant 16 : i32
      %mul3A_42 = arith.muli %add3A_40, %mul3A_41 : i32
      %swap3A_43 = arith.index_cast %mul3A_42 : i32 to index
      %swap3A_44 = tpu.vector_load %arg5[%swap3A_43] {strides = array<i32>} : memref<10240xf32, #tpu.memory_space<vmem>>, vector<16xf32>,
      tpu.vector_store %arg5[%swap3A_43], %broadcast_in_dim3A_6 {strides = array<i32>} : memref<10240xf32, #tpu.memory_space<vmem>>, vector<16xf32>,
      %mul3A_45 = arith.constant 4 : i32
      %mul3A_46 = arith.muli %scan3A_21, %mul3A_45 : i32
      %add3A_47 = arith.constant 3 : i32
      %add3A_48 = arith.addi %mul3A_46, %add3A_47 : i32
      %mul3A_49 = arith.constant 16 : i32
      %mul3A_50 = arith.muli %add3A_48, %mul3A_49 : i32
      %swap3A_51 = arith.index_cast %mul3A_50 : i32 to index
      %swap3A_52 = tpu.vector_load %arg5[%swap3A_51] {strides = array<i32>} : memref<10240xf32, #tpu.memory_space<vmem>>, vector<16xf32>,
      tpu.vector_store %arg5[%swap3A_51], %broadcast_in_dim3A_6 {strides = array<i32>} : memref<10240xf32, #tpu.memory_space<vmem>>, vector<16xf32>,
    }
    %scan3A_11 = arith.constant 160 : i32
    %dma_wait3A = tpu.memref_slice %arg2[%add3A_4] : memref<640000xi32, #tpu.memory_space<hbm>> -> memref<10000xi32, #tpu.memory_space<hbm>>
    %dma_wait3A_12 = tpu.memref_slice %arg2[%add3A_4] : memref<640000xi32, #tpu.memory_space<hbm>> -> memref<10000xi32, #tpu.memory_space<hbm>>
    tpu.wait_dma2 semaphore(%arg6 : memref<!tpu.dma_semaphore, #tpu.memory_space<semaphore_mem>>) src(%dma_wait3A_12 : memref<10000xi32, #tpu.memory_space<hbm>>) dst(%arg4 : memref<10000xi32, #tpu.memory_space<vmem>>)
    %broadcast_in_dim3A_13 = arith.constant 1.000000e+00 : f32
    %broadcast_in_dim3A_14 = vector.broadcast %broadcast_in_dim3A_13 : f32 to vector<16xf32>
    %scan3A_15 = arith.constant 0 : i32
    %scan3A_16 = arith.constant 0 : i32
    %scan3A_17 = arith.constant 156 : i32
    %scan3A_18 = arith.addi %scan3A_16, %scan3A_17 : i32
    %scan3A_19 = arith.constant 1 : i32
    scf.for %scan3A_21 = %scan3A_16 to %scan3A_18 step %scan3A_19  : i32 {
      %mul3A_22 = arith.constant 4 : i32
      %mul3A_23 = arith.muli %scan3A_21, %mul3A_22 : i32
      %add3A_24 = arith.constant 0 : i32
      %add3A_25 = arith.addi %mul3A_23, %add3A_24 : i32
      %mul3A_26 = arith.constant 16 : i32
      %mul3A_27 = arith.muli %add3A_25, %mul3A_26 : i32
      %get3A = arith.index_cast %mul3A_27 : i32 to index
      %get3A_28 = tpu.vector_load %arg4[%get3A] {strides = array<i32>} : memref<10000xi32, #tpu.memory_space<vmem>>, vector<16xi32>,
      tpu.vector_store_idx %arg5[%get3A_28], %broadcast_in_dim3A_14 {add = true} : memref<10240xf32, #tpu.memory_space<vmem>>[vector<16xi32>], vector<16xf32>,
      %mul3A_29 = arith.constant 4 : i32
      %mul3A_30 = arith.muli %scan3A_21, %mul3A_29 : i32
      %add3A_31 = arith.constant 1 : i32
      %add3A_32 = arith.addi %mul3A_30, %add3A_31 : i32
      %mul3A_33 = arith.constant 16 : i32
      %mul3A_34 = arith.muli %add3A_32, %mul3A_33 : i32
      %get3A_35 = arith.index_cast %mul3A_34 : i32 to index
      %get3A_36 = tpu.vector_load %arg4[%get3A_35] {strides = array<i32>} : memref<10000xi32, #tpu.memory_space<vmem>>, vector<16xi32>,
      tpu.vector_store_idx %arg5[%get3A_36], %broadcast_in_dim3A_14 {add = true} : memref<10240xf32, #tpu.memory_space<vmem>>[vector<16xi32>], vector<16xf32>,
      %mul3A_37 = arith.constant 4 : i32
      %mul3A_38 = arith.muli %scan3A_21, %mul3A_37 : i32
      %add3A_39 = arith.constant 2 : i32
      %add3A_40 = arith.addi %mul3A_38, %add3A_39 : i32
      %mul3A_41 = arith.constant 16 : i32
      %mul3A_42 = arith.muli %add3A_40, %mul3A_41 : i32
      %get3A_43 = arith.index_cast %mul3A_42 : i32 to index
      %get3A_44 = tpu.vector_load %arg4[%get3A_43] {strides = array<i32>} : memref<10000xi32, #tpu.memory_space<vmem>>, vector<16xi32>,
      tpu.vector_store_idx %arg5[%get3A_44], %broadcast_in_dim3A_14 {add = true} : memref<10240xf32, #tpu.memory_space<vmem>>[vector<16xi32>], vector<16xf32>,
      %mul3A_45 = arith.constant 4 : i32
      %mul3A_46 = arith.muli %scan3A_21, %mul3A_45 : i32
      %add3A_47 = arith.constant 3 : i32
      %add3A_48 = arith.addi %mul3A_46, %add3A_47 : i32
      %mul3A_49 = arith.constant 16 : i32
      %mul3A_50 = arith.muli %add3A_48, %mul3A_49 : i32
      %get3A_51 = arith.index_cast %mul3A_50 : i32 to index
      %get3A_52 = tpu.vector_load %arg4[%get3A_51] {strides = array<i32>} : memref<10000xi32, #tpu.memory_space<vmem>>, vector<16xi32>,
      tpu.vector_store_idx %arg5[%get3A_52], %broadcast_in_dim3A_14 {add = true} : memref<10240xf32, #tpu.memory_space<vmem>>[vector<16xi32>], vector<16xf32>,
    }
    %scan3A_20 = arith.constant 156 : i32
    "tpu.region"() ({
      %run_scoped3A = tpu.sem_alloc : memref<!tpu.dma_semaphore, #tpu.memory_space<semaphore_mem>>
      %dma_start3A_21 = arith.constant 0 : i32
      %dma_start3A_22 = tpu.memref_slice %arg3[%add3A, %dma_start3A_21] : memref<32x10240xf32, #tpu.memory_space<hbm>> -> memref<1x10240xf32, #tpu.memory_space<hbm>>
      %dma_start3A_23 = tpu.memref_squeeze %dma_start3A_22 : memref<1x10240xf32, #tpu.memory_space<hbm>> -> memref<10240xf32, #tpu.memory_space<hbm>>
      %dma_start3A_24 = arith.constant 0 : i32
      %dma_start3A_25 = tpu.memref_slice %arg3[%add3A, %dma_start3A_24] : memref<32x10240xf32, #tpu.memory_space<hbm>> -> memref<1x10240xf32, #tpu.memory_space<hbm>>
      %dma_start3A_26 = tpu.memref_squeeze %dma_start3A_25 : memref<1x10240xf32, #tpu.memory_space<hbm>> -> memref<10240xf32, #tpu.memory_space<hbm>>
      tpu.enqueue_dma source(%arg5 : memref<10240xf32, #tpu.memory_space<vmem>>) target(%dma_start3A_26 : memref<10240xf32, #tpu.memory_space<hbm>>) target_semaphore(%run_scoped3A : memref<!tpu.dma_semaphore, #tpu.memory_space<semaphore_mem>>)
      %dma_wait3A_27 = arith.constant 0 : i32
      %dma_wait3A_28 = tpu.memref_slice %arg3[%add3A, %dma_wait3A_27] : memref<32x10240xf32, #tpu.memory_space<hbm>> -> memref<1x10240xf32, #tpu.memory_space<hbm>>
      %dma_wait3A_29 = tpu.memref_squeeze %dma_wait3A_28 : memref<1x10240xf32, #tpu.memory_space<hbm>> -> memref<10240xf32, #tpu.memory_space<hbm>>
      %dma_wait3A_30 = arith.constant 0 : i32
      %dma_wait3A_31 = tpu.memref_slice %arg3[%add3A, %dma_wait3A_30] : memref<32x10240xf32, #tpu.memory_space<hbm>> -> memref<1x10240xf32, #tpu.memory_space<hbm>>
      %dma_wait3A_32 = tpu.memref_squeeze %dma_wait3A_31 : memref<1x10240xf32, #tpu.memory_space<hbm>> -> memref<10240xf32, #tpu.memory_space<hbm>>
      tpu.wait_dma2 semaphore(%run_scoped3A : memref<!tpu.dma_semaphore, #tpu.memory_space<semaphore_mem>>) src(%arg5 : memref<10240xf32, #tpu.memory_space<vmem>>) dst(%dma_wait3A_32 : memref<10240xf32, #tpu.memory_space<hbm>>)
      tpu.yield
    }) : () -> ()
    return
  }
}

#map = affine_map<(d0, d1) -> (0)>
#map1 = affine_map<(d0, d1) -> (0, 0)>
module attributes {stable_mosaic.version = 14 : i64} {
  func.func @_agg_kernel(%arg0: i32, %arg1: i32, %arg2: memref<40960xf32, #tpu.memory_space<hbm>>, %arg3: memref<640000xi32, #tpu.memory_space<hbm>>, %arg4: memref<32x40960xf32, #tpu.memory_space<hbm>>, %arg5: memref<10000xi32, #tpu.memory_space<vmem>>, %arg6: memref<10000xi32, #tpu.memory_space<vmem>>, %arg7: memref<40960xf32, #tpu.memory_space<vmem>>, %arg8: memref<40960xf32, #tpu.memory_space<vmem>>, %arg9: memref<!tpu.dma_semaphore, #tpu.memory_space<semaphore_mem>>, %arg10: memref<!tpu.dma_semaphore, #tpu.memory_space<semaphore_mem>>, %arg11: memref<!tpu.dma_semaphore, #tpu.memory_space<semaphore_mem>>) attributes {dimension_semantics = [#tpu.dimension_semantics<core_parallel>, #tpu.dimension_semantics<subcore_parallel>], iteration_bounds = array<i64: 2, 16>, scalar_prefetch = 0 : i64, scratch_operands = 7 : i64, tpu.core_type = #tpu.core_type<sc_vector_subcore>, window_params = [{transform_indices = #map}, {transform_indices = #map}, {transform_indices = #map1}]} {
    %mul3A = arith.constant 2 : i32
    %mul3A_0 = arith.muli %arg1, %mul3A : i32
    %add3A = arith.addi %mul3A_0, %arg0 : i32
    %mul3A_1 = arith.constant 10000 : i32
    %mul3A_2 = arith.muli %add3A, %mul3A_1 : i32
    tpu.enqueue_dma source(%arg2 : memref<40960xf32, #tpu.memory_space<hbm>>) target(%arg7 : memref<40960xf32, #tpu.memory_space<vmem>>) target_semaphore(%arg9 : memref<!tpu.dma_semaphore, #tpu.memory_space<semaphore_mem>>)
    %dma_start3A = tpu.memref_slice %arg3[%mul3A_2] : memref<640000xi32, #tpu.memory_space<hbm>> -> memref<10000xi32, #tpu.memory_space<hbm>>
    %dma_start3A_3 = tpu.memref_slice %arg3[%mul3A_2] : memref<640000xi32, #tpu.memory_space<hbm>> -> memref<10000xi32, #tpu.memory_space<hbm>>
    tpu.enqueue_dma source(%dma_start3A_3 : memref<10000xi32, #tpu.memory_space<hbm>>) target(%arg5 : memref<10000xi32, #tpu.memory_space<vmem>>) target_semaphore(%arg10 : memref<!tpu.dma_semaphore, #tpu.memory_space<semaphore_mem>>)
    %add3A_4 = arith.constant 320000 : i32
    %add3A_5 = arith.addi %add3A_4, %mul3A_2 : i32
    %dma_start3A_6 = tpu.memref_slice %arg3[%add3A_5] : memref<640000xi32, #tpu.memory_space<hbm>> -> memref<10000xi32, #tpu.memory_space<hbm>>
    %dma_start3A_7 = tpu.memref_slice %arg3[%add3A_5] : memref<640000xi32, #tpu.memory_space<hbm>> -> memref<10000xi32, #tpu.memory_space<hbm>>
    tpu.enqueue_dma source(%dma_start3A_7 : memref<10000xi32, #tpu.memory_space<hbm>>) target(%arg6 : memref<10000xi32, #tpu.memory_space<vmem>>) target_semaphore(%arg11 : memref<!tpu.dma_semaphore, #tpu.memory_space<semaphore_mem>>)
    %broadcast_in_dim3A = arith.constant 0.000000e+00 : f32
    %broadcast_in_dim3A_8 = vector.broadcast %broadcast_in_dim3A : f32 to vector<16xf32>
    %scan3A = arith.constant 0 : i32
    %scan3A_9 = arith.constant 0 : i32
    %scan3A_10 = arith.constant 640 : i32
    %scan3A_11 = arith.addi %scan3A_9, %scan3A_10 : i32
    %scan3A_12 = arith.constant 1 : i32
    scf.for %scan3A_23 = %scan3A_9 to %scan3A_11 step %scan3A_12  : i32 {
      %mul3A_24 = arith.constant 4 : i32
      %mul3A_25 = arith.muli %scan3A_23, %mul3A_24 : i32
      %add3A_26 = arith.constant 0 : i32
      %add3A_27 = arith.addi %mul3A_25, %add3A_26 : i32
      %mul3A_28 = arith.constant 16 : i32
      %mul3A_29 = arith.muli %add3A_27, %mul3A_28 : i32
      %swap3A = arith.index_cast %mul3A_29 : i32 to index
      %swap3A_30 = tpu.vector_load %arg8[%swap3A] {strides = array<i32>} : memref<40960xf32, #tpu.memory_space<vmem>>, vector<16xf32>,
      tpu.vector_store %arg8[%swap3A], %broadcast_in_dim3A_8 {strides = array<i32>} : memref<40960xf32, #tpu.memory_space<vmem>>, vector<16xf32>,
      %mul3A_31 = arith.constant 4 : i32
      %mul3A_32 = arith.muli %scan3A_23, %mul3A_31 : i32
      %add3A_33 = arith.constant 1 : i32
      %add3A_34 = arith.addi %mul3A_32, %add3A_33 : i32
      %mul3A_35 = arith.constant 16 : i32
      %mul3A_36 = arith.muli %add3A_34, %mul3A_35 : i32
      %swap3A_37 = arith.index_cast %mul3A_36 : i32 to index
      %swap3A_38 = tpu.vector_load %arg8[%swap3A_37] {strides = array<i32>} : memref<40960xf32, #tpu.memory_space<vmem>>, vector<16xf32>,
      tpu.vector_store %arg8[%swap3A_37], %broadcast_in_dim3A_8 {strides = array<i32>} : memref<40960xf32, #tpu.memory_space<vmem>>, vector<16xf32>,
      %mul3A_39 = arith.constant 4 : i32
      %mul3A_40 = arith.muli %scan3A_23, %mul3A_39 : i32
      %add3A_41 = arith.constant 2 : i32
      %add3A_42 = arith.addi %mul3A_40, %add3A_41 : i32
      %mul3A_43 = arith.constant 16 : i32
      %mul3A_44 = arith.muli %add3A_42, %mul3A_43 : i32
      %swap3A_45 = arith.index_cast %mul3A_44 : i32 to index
      %swap3A_46 = tpu.vector_load %arg8[%swap3A_45] {strides = array<i32>} : memref<40960xf32, #tpu.memory_space<vmem>>, vector<16xf32>,
      tpu.vector_store %arg8[%swap3A_45], %broadcast_in_dim3A_8 {strides = array<i32>} : memref<40960xf32, #tpu.memory_space<vmem>>, vector<16xf32>,
      %mul3A_47 = arith.constant 4 : i32
      %mul3A_48 = arith.muli %scan3A_23, %mul3A_47 : i32
      %add3A_49 = arith.constant 3 : i32
      %add3A_50 = arith.addi %mul3A_48, %add3A_49 : i32
      %mul3A_51 = arith.constant 16 : i32
      %mul3A_52 = arith.muli %add3A_50, %mul3A_51 : i32
      %swap3A_53 = arith.index_cast %mul3A_52 : i32 to index
      %swap3A_54 = tpu.vector_load %arg8[%swap3A_53] {strides = array<i32>} : memref<40960xf32, #tpu.memory_space<vmem>>, vector<16xf32>,
      tpu.vector_store %arg8[%swap3A_53], %broadcast_in_dim3A_8 {strides = array<i32>} : memref<40960xf32, #tpu.memory_space<vmem>>, vector<16xf32>,
    }
    %scan3A_13 = arith.constant 640 : i32
    tpu.wait_dma2 semaphore(%arg9 : memref<!tpu.dma_semaphore, #tpu.memory_space<semaphore_mem>>) src(%arg2 : memref<40960xf32, #tpu.memory_space<hbm>>) dst(%arg7 : memref<40960xf32, #tpu.memory_space<vmem>>)
    %dma_wait3A = tpu.memref_slice %arg3[%mul3A_2] : memref<640000xi32, #tpu.memory_space<hbm>> -> memref<10000xi32, #tpu.memory_space<hbm>>
    %dma_wait3A_14 = tpu.memref_slice %arg3[%mul3A_2] : memref<640000xi32, #tpu.memory_space<hbm>> -> memref<10000xi32, #tpu.memory_space<hbm>>
    tpu.wait_dma2 semaphore(%arg10 : memref<!tpu.dma_semaphore, #tpu.memory_space<semaphore_mem>>) src(%dma_wait3A_14 : memref<10000xi32, #tpu.memory_space<hbm>>) dst(%arg5 : memref<10000xi32, #tpu.memory_space<vmem>>)
    %dma_wait3A_15 = tpu.memref_slice %arg3[%add3A_5] : memref<640000xi32, #tpu.memory_space<hbm>> -> memref<10000xi32, #tpu.memory_space<hbm>>
    %dma_wait3A_16 = tpu.memref_slice %arg3[%add3A_5] : memref<640000xi32, #tpu.memory_space<hbm>> -> memref<10000xi32, #tpu.memory_space<hbm>>
    tpu.wait_dma2 semaphore(%arg11 : memref<!tpu.dma_semaphore, #tpu.memory_space<semaphore_mem>>) src(%dma_wait3A_16 : memref<10000xi32, #tpu.memory_space<hbm>>) dst(%arg6 : memref<10000xi32, #tpu.memory_space<vmem>>)
    %scan3A_17 = arith.constant 0 : i32
    %scan3A_18 = arith.constant 0 : i32
    %scan3A_19 = arith.constant 312 : i32
    %scan3A_20 = arith.addi %scan3A_18, %scan3A_19 : i32
    %scan3A_21 = arith.constant 1 : i32
    scf.for %scan3A_23 = %scan3A_18 to %scan3A_20 step %scan3A_21  : i32 {
      %mul3A_24 = arith.constant 32 : i32
      %mul3A_25 = arith.muli %scan3A_23, %mul3A_24 : i32
      %add3A_26 = arith.constant 0 : i32
      %add3A_27 = arith.addi %mul3A_25, %add3A_26 : i32
      %get3A = arith.index_cast %add3A_27 : i32 to index
      %get3A_28 = tpu.vector_load %arg5[%get3A] {strides = array<i32>} : memref<10000xi32, #tpu.memory_space<vmem>>, vector<16xi32>,
      %add3A_29 = arith.constant 16 : i32
      %add3A_30 = arith.addi %mul3A_25, %add3A_29 : i32
      %get3A_31 = arith.index_cast %add3A_30 : i32 to index
      %get3A_32 = tpu.vector_load %arg5[%get3A_31] {strides = array<i32>} : memref<10000xi32, #tpu.memory_space<vmem>>, vector<16xi32>,
      %add3A_33 = arith.constant 0 : i32
      %add3A_34 = arith.addi %mul3A_25, %add3A_33 : i32
      %get3A_35 = arith.index_cast %add3A_34 : i32 to index
      %get3A_36 = tpu.vector_load %arg6[%get3A_35] {strides = array<i32>} : memref<10000xi32, #tpu.memory_space<vmem>>, vector<16xi32>,
      %add3A_37 = arith.constant 16 : i32
      %add3A_38 = arith.addi %mul3A_25, %add3A_37 : i32
      %get3A_39 = arith.index_cast %add3A_38 : i32 to index
      %get3A_40 = tpu.vector_load %arg6[%get3A_39] {strides = array<i32>} : memref<10000xi32, #tpu.memory_space<vmem>>, vector<16xi32>,
      %add3A_41 = arith.constant 0 : i32
      %add3A_42 = vector.broadcast %add3A_41 : i32 to vector<16xi32>
      %add3A_43 = arith.addi %get3A_28, %add3A_42 : vector<16xi32>
      %gather3A = tpu.vector_load_idx %arg7[%add3A_43] : memref<40960xf32, #tpu.memory_space<vmem>>[vector<16xi32>], vector<16xf32>,
      %add3A_44 = arith.constant 10240 : i32
      %add3A_45 = vector.broadcast %add3A_44 : i32 to vector<16xi32>
      %add3A_46 = arith.addi %get3A_28, %add3A_45 : vector<16xi32>
      %gather3A_47 = tpu.vector_load_idx %arg7[%add3A_46] : memref<40960xf32, #tpu.memory_space<vmem>>[vector<16xi32>], vector<16xf32>,
      %add3A_48 = arith.constant 20480 : i32
      %add3A_49 = vector.broadcast %add3A_48 : i32 to vector<16xi32>
      %add3A_50 = arith.addi %get3A_28, %add3A_49 : vector<16xi32>
      %gather3A_51 = tpu.vector_load_idx %arg7[%add3A_50] : memref<40960xf32, #tpu.memory_space<vmem>>[vector<16xi32>], vector<16xf32>,
      %add3A_52 = arith.constant 30720 : i32
      %add3A_53 = vector.broadcast %add3A_52 : i32 to vector<16xi32>
      %add3A_54 = arith.addi %get3A_28, %add3A_53 : vector<16xi32>
      %gather3A_55 = tpu.vector_load_idx %arg7[%add3A_54] : memref<40960xf32, #tpu.memory_space<vmem>>[vector<16xi32>], vector<16xf32>,
      %add3A_56 = arith.constant 0 : i32
      %add3A_57 = vector.broadcast %add3A_56 : i32 to vector<16xi32>
      %add3A_58 = arith.addi %get3A_32, %add3A_57 : vector<16xi32>
      %gather3A_59 = tpu.vector_load_idx %arg7[%add3A_58] : memref<40960xf32, #tpu.memory_space<vmem>>[vector<16xi32>], vector<16xf32>,
      %add3A_60 = arith.constant 10240 : i32
      %add3A_61 = vector.broadcast %add3A_60 : i32 to vector<16xi32>
      %add3A_62 = arith.addi %get3A_32, %add3A_61 : vector<16xi32>
      %gather3A_63 = tpu.vector_load_idx %arg7[%add3A_62] : memref<40960xf32, #tpu.memory_space<vmem>>[vector<16xi32>], vector<16xf32>,
      %add3A_64 = arith.constant 20480 : i32
      %add3A_65 = vector.broadcast %add3A_64 : i32 to vector<16xi32>
      %add3A_66 = arith.addi %get3A_32, %add3A_65 : vector<16xi32>
      %gather3A_67 = tpu.vector_load_idx %arg7[%add3A_66] : memref<40960xf32, #tpu.memory_space<vmem>>[vector<16xi32>], vector<16xf32>,
      %add3A_68 = arith.constant 30720 : i32
      %add3A_69 = vector.broadcast %add3A_68 : i32 to vector<16xi32>
      %add3A_70 = arith.addi %get3A_32, %add3A_69 : vector<16xi32>
      %gather3A_71 = tpu.vector_load_idx %arg7[%add3A_70] : memref<40960xf32, #tpu.memory_space<vmem>>[vector<16xi32>], vector<16xf32>,
      %add3A_72 = arith.constant 0 : i32
      %add3A_73 = vector.broadcast %add3A_72 : i32 to vector<16xi32>
      %add3A_74 = arith.addi %get3A_36, %add3A_73 : vector<16xi32>
      tpu.vector_store_idx %arg8[%add3A_74], %gather3A {add = true} : memref<40960xf32, #tpu.memory_space<vmem>>[vector<16xi32>], vector<16xf32>,
      %add3A_75 = arith.constant 10240 : i32
      %add3A_76 = vector.broadcast %add3A_75 : i32 to vector<16xi32>
      %add3A_77 = arith.addi %get3A_36, %add3A_76 : vector<16xi32>
      tpu.vector_store_idx %arg8[%add3A_77], %gather3A_47 {add = true} : memref<40960xf32, #tpu.memory_space<vmem>>[vector<16xi32>], vector<16xf32>,
      %add3A_78 = arith.constant 20480 : i32
      %add3A_79 = vector.broadcast %add3A_78 : i32 to vector<16xi32>
      %add3A_80 = arith.addi %get3A_36, %add3A_79 : vector<16xi32>
      tpu.vector_store_idx %arg8[%add3A_80], %gather3A_51 {add = true} : memref<40960xf32, #tpu.memory_space<vmem>>[vector<16xi32>], vector<16xf32>,
      %add3A_81 = arith.constant 30720 : i32
      %add3A_82 = vector.broadcast %add3A_81 : i32 to vector<16xi32>
      %add3A_83 = arith.addi %get3A_36, %add3A_82 : vector<16xi32>
      tpu.vector_store_idx %arg8[%add3A_83], %gather3A_55 {add = true} : memref<40960xf32, #tpu.memory_space<vmem>>[vector<16xi32>], vector<16xf32>,
      %add3A_84 = arith.constant 0 : i32
      %add3A_85 = vector.broadcast %add3A_84 : i32 to vector<16xi32>
      %add3A_86 = arith.addi %get3A_40, %add3A_85 : vector<16xi32>
      tpu.vector_store_idx %arg8[%add3A_86], %gather3A_59 {add = true} : memref<40960xf32, #tpu.memory_space<vmem>>[vector<16xi32>], vector<16xf32>,
      %add3A_87 = arith.constant 10240 : i32
      %add3A_88 = vector.broadcast %add3A_87 : i32 to vector<16xi32>
      %add3A_89 = arith.addi %get3A_40, %add3A_88 : vector<16xi32>
      tpu.vector_store_idx %arg8[%add3A_89], %gather3A_63 {add = true} : memref<40960xf32, #tpu.memory_space<vmem>>[vector<16xi32>], vector<16xf32>,
      %add3A_90 = arith.constant 20480 : i32
      %add3A_91 = vector.broadcast %add3A_90 : i32 to vector<16xi32>
      %add3A_92 = arith.addi %get3A_40, %add3A_91 : vector<16xi32>
      tpu.vector_store_idx %arg8[%add3A_92], %gather3A_67 {add = true} : memref<40960xf32, #tpu.memory_space<vmem>>[vector<16xi32>], vector<16xf32>,
      %add3A_93 = arith.constant 30720 : i32
      %add3A_94 = vector.broadcast %add3A_93 : i32 to vector<16xi32>
      %add3A_95 = arith.addi %get3A_40, %add3A_94 : vector<16xi32>
      tpu.vector_store_idx %arg8[%add3A_95], %gather3A_71 {add = true} : memref<40960xf32, #tpu.memory_space<vmem>>[vector<16xi32>], vector<16xf32>,
    }
    %scan3A_22 = arith.constant 312 : i32
    "tpu.region"() ({
      %run_scoped3A = tpu.sem_alloc : memref<!tpu.dma_semaphore, #tpu.memory_space<semaphore_mem>>
      %dma_start3A_23 = arith.constant 0 : i32
      %dma_start3A_24 = tpu.memref_slice %arg4[%add3A, %dma_start3A_23] : memref<32x40960xf32, #tpu.memory_space<hbm>> -> memref<1x40960xf32, #tpu.memory_space<hbm>>
      %dma_start3A_25 = tpu.memref_squeeze %dma_start3A_24 : memref<1x40960xf32, #tpu.memory_space<hbm>> -> memref<40960xf32, #tpu.memory_space<hbm>>
      %dma_start3A_26 = arith.constant 0 : i32
      %dma_start3A_27 = tpu.memref_slice %arg4[%add3A, %dma_start3A_26] : memref<32x40960xf32, #tpu.memory_space<hbm>> -> memref<1x40960xf32, #tpu.memory_space<hbm>>
      %dma_start3A_28 = tpu.memref_squeeze %dma_start3A_27 : memref<1x40960xf32, #tpu.memory_space<hbm>> -> memref<40960xf32, #tpu.memory_space<hbm>>
      tpu.enqueue_dma source(%arg8 : memref<40960xf32, #tpu.memory_space<vmem>>) target(%dma_start3A_28 : memref<40960xf32, #tpu.memory_space<hbm>>) target_semaphore(%run_scoped3A : memref<!tpu.dma_semaphore, #tpu.memory_space<semaphore_mem>>)
      %dma_wait3A_29 = arith.constant 0 : i32
      %dma_wait3A_30 = tpu.memref_slice %arg4[%add3A, %dma_wait3A_29] : memref<32x40960xf32, #tpu.memory_space<hbm>> -> memref<1x40960xf32, #tpu.memory_space<hbm>>
      %dma_wait3A_31 = tpu.memref_squeeze %dma_wait3A_30 : memref<1x40960xf32, #tpu.memory_space<hbm>> -> memref<40960xf32, #tpu.memory_space<hbm>>
      %dma_wait3A_32 = arith.constant 0 : i32
      %dma_wait3A_33 = tpu.memref_slice %arg4[%add3A, %dma_wait3A_32] : memref<32x40960xf32, #tpu.memory_space<hbm>> -> memref<1x40960xf32, #tpu.memory_space<hbm>>
      %dma_wait3A_34 = tpu.memref_squeeze %dma_wait3A_33 : memref<1x40960xf32, #tpu.memory_space<hbm>> -> memref<40960xf32, #tpu.memory_space<hbm>>
      tpu.wait_dma2 semaphore(%run_scoped3A : memref<!tpu.dma_semaphore, #tpu.memory_space<semaphore_mem>>) src(%arg8 : memref<40960xf32, #tpu.memory_space<vmem>>) dst(%dma_wait3A_34 : memref<40960xf32, #tpu.memory_space<hbm>>)
      tpu.yield
    }) : () -> ()
    return
  }
}

#map = affine_map<(d0, d1) -> (0)>
#map1 = affine_map<(d0, d1) -> (0, 0)>
module attributes {stable_mosaic.version = 14 : i64} {
  func.func @_agg_kernel(%arg0: i32, %arg1: i32, %arg2: memref<40960xf32, #tpu.memory_space<hbm>>, %arg3: memref<640000xi32, #tpu.memory_space<hbm>>, %arg4: memref<32x40960xf32, #tpu.memory_space<hbm>>, %arg5: memref<10000xi32, #tpu.memory_space<vmem>>, %arg6: memref<10000xi32, #tpu.memory_space<vmem>>, %arg7: memref<40960xf32, #tpu.memory_space<vmem>>, %arg8: memref<40960xf32, #tpu.memory_space<vmem>>, %arg9: memref<!tpu.dma_semaphore, #tpu.memory_space<semaphore_mem>>, %arg10: memref<!tpu.dma_semaphore, #tpu.memory_space<semaphore_mem>>, %arg11: memref<!tpu.dma_semaphore, #tpu.memory_space<semaphore_mem>>) attributes {dimension_semantics = [#tpu.dimension_semantics<core_parallel>, #tpu.dimension_semantics<subcore_parallel>], iteration_bounds = array<i64: 2, 16>, scalar_prefetch = 0 : i64, scratch_operands = 7 : i64, tpu.core_type = #tpu.core_type<sc_vector_subcore>, window_params = [{transform_indices = #map}, {transform_indices = #map}, {transform_indices = #map1}]} {
    %mul3A = arith.constant 2 : i32
    %mul3A_0 = arith.muli %arg1, %mul3A : i32
    %add3A = arith.addi %mul3A_0, %arg0 : i32
    %mul3A_1 = arith.constant 10000 : i32
    %mul3A_2 = arith.muli %add3A, %mul3A_1 : i32
    tpu.enqueue_dma source(%arg2 : memref<40960xf32, #tpu.memory_space<hbm>>) target(%arg7 : memref<40960xf32, #tpu.memory_space<vmem>>) target_semaphore(%arg9 : memref<!tpu.dma_semaphore, #tpu.memory_space<semaphore_mem>>)
    %dma_start3A = tpu.memref_slice %arg3[%mul3A_2] : memref<640000xi32, #tpu.memory_space<hbm>> -> memref<10000xi32, #tpu.memory_space<hbm>>
    %dma_start3A_3 = tpu.memref_slice %arg3[%mul3A_2] : memref<640000xi32, #tpu.memory_space<hbm>> -> memref<10000xi32, #tpu.memory_space<hbm>>
    tpu.enqueue_dma source(%dma_start3A_3 : memref<10000xi32, #tpu.memory_space<hbm>>) target(%arg5 : memref<10000xi32, #tpu.memory_space<vmem>>) target_semaphore(%arg10 : memref<!tpu.dma_semaphore, #tpu.memory_space<semaphore_mem>>)
    %add3A_4 = arith.constant 320000 : i32
    %add3A_5 = arith.addi %add3A_4, %mul3A_2 : i32
    %dma_start3A_6 = tpu.memref_slice %arg3[%add3A_5] : memref<640000xi32, #tpu.memory_space<hbm>> -> memref<10000xi32, #tpu.memory_space<hbm>>
    %dma_start3A_7 = tpu.memref_slice %arg3[%add3A_5] : memref<640000xi32, #tpu.memory_space<hbm>> -> memref<10000xi32, #tpu.memory_space<hbm>>
    tpu.enqueue_dma source(%dma_start3A_7 : memref<10000xi32, #tpu.memory_space<hbm>>) target(%arg6 : memref<10000xi32, #tpu.memory_space<vmem>>) target_semaphore(%arg11 : memref<!tpu.dma_semaphore, #tpu.memory_space<semaphore_mem>>)
    %broadcast_in_dim3A = arith.constant 0.000000e+00 : f32
    %broadcast_in_dim3A_8 = vector.broadcast %broadcast_in_dim3A : f32 to vector<16xf32>
    %scan3A = arith.constant 0 : i32
    %scan3A_9 = arith.constant 0 : i32
    %scan3A_10 = arith.constant 640 : i32
    %scan3A_11 = arith.addi %scan3A_9, %scan3A_10 : i32
    %scan3A_12 = arith.constant 1 : i32
    scf.for %scan3A_23 = %scan3A_9 to %scan3A_11 step %scan3A_12  : i32 {
      %mul3A_24 = arith.constant 4 : i32
      %mul3A_25 = arith.muli %scan3A_23, %mul3A_24 : i32
      %add3A_26 = arith.constant 0 : i32
      %add3A_27 = arith.addi %mul3A_25, %add3A_26 : i32
      %mul3A_28 = arith.constant 16 : i32
      %mul3A_29 = arith.muli %add3A_27, %mul3A_28 : i32
      %swap3A = arith.index_cast %mul3A_29 : i32 to index
      %swap3A_30 = tpu.vector_load %arg8[%swap3A] {strides = array<i32>} : memref<40960xf32, #tpu.memory_space<vmem>>, vector<16xf32>,
      tpu.vector_store %arg8[%swap3A], %broadcast_in_dim3A_8 {strides = array<i32>} : memref<40960xf32, #tpu.memory_space<vmem>>, vector<16xf32>,
      %mul3A_31 = arith.constant 4 : i32
      %mul3A_32 = arith.muli %scan3A_23, %mul3A_31 : i32
      %add3A_33 = arith.constant 1 : i32
      %add3A_34 = arith.addi %mul3A_32, %add3A_33 : i32
      %mul3A_35 = arith.constant 16 : i32
      %mul3A_36 = arith.muli %add3A_34, %mul3A_35 : i32
      %swap3A_37 = arith.index_cast %mul3A_36 : i32 to index
      %swap3A_38 = tpu.vector_load %arg8[%swap3A_37] {strides = array<i32>} : memref<40960xf32, #tpu.memory_space<vmem>>, vector<16xf32>,
      tpu.vector_store %arg8[%swap3A_37], %broadcast_in_dim3A_8 {strides = array<i32>} : memref<40960xf32, #tpu.memory_space<vmem>>, vector<16xf32>,
      %mul3A_39 = arith.constant 4 : i32
      %mul3A_40 = arith.muli %scan3A_23, %mul3A_39 : i32
      %add3A_41 = arith.constant 2 : i32
      %add3A_42 = arith.addi %mul3A_40, %add3A_41 : i32
      %mul3A_43 = arith.constant 16 : i32
      %mul3A_44 = arith.muli %add3A_42, %mul3A_43 : i32
      %swap3A_45 = arith.index_cast %mul3A_44 : i32 to index
      %swap3A_46 = tpu.vector_load %arg8[%swap3A_45] {strides = array<i32>} : memref<40960xf32, #tpu.memory_space<vmem>>, vector<16xf32>,
      tpu.vector_store %arg8[%swap3A_45], %broadcast_in_dim3A_8 {strides = array<i32>} : memref<40960xf32, #tpu.memory_space<vmem>>, vector<16xf32>,
      %mul3A_47 = arith.constant 4 : i32
      %mul3A_48 = arith.muli %scan3A_23, %mul3A_47 : i32
      %add3A_49 = arith.constant 3 : i32
      %add3A_50 = arith.addi %mul3A_48, %add3A_49 : i32
      %mul3A_51 = arith.constant 16 : i32
      %mul3A_52 = arith.muli %add3A_50, %mul3A_51 : i32
      %swap3A_53 = arith.index_cast %mul3A_52 : i32 to index
      %swap3A_54 = tpu.vector_load %arg8[%swap3A_53] {strides = array<i32>} : memref<40960xf32, #tpu.memory_space<vmem>>, vector<16xf32>,
      tpu.vector_store %arg8[%swap3A_53], %broadcast_in_dim3A_8 {strides = array<i32>} : memref<40960xf32, #tpu.memory_space<vmem>>, vector<16xf32>,
    }
    %scan3A_13 = arith.constant 640 : i32
    tpu.wait_dma2 semaphore(%arg9 : memref<!tpu.dma_semaphore, #tpu.memory_space<semaphore_mem>>) src(%arg2 : memref<40960xf32, #tpu.memory_space<hbm>>) dst(%arg7 : memref<40960xf32, #tpu.memory_space<vmem>>)
    %dma_wait3A = tpu.memref_slice %arg3[%mul3A_2] : memref<640000xi32, #tpu.memory_space<hbm>> -> memref<10000xi32, #tpu.memory_space<hbm>>
    %dma_wait3A_14 = tpu.memref_slice %arg3[%mul3A_2] : memref<640000xi32, #tpu.memory_space<hbm>> -> memref<10000xi32, #tpu.memory_space<hbm>>
    tpu.wait_dma2 semaphore(%arg10 : memref<!tpu.dma_semaphore, #tpu.memory_space<semaphore_mem>>) src(%dma_wait3A_14 : memref<10000xi32, #tpu.memory_space<hbm>>) dst(%arg5 : memref<10000xi32, #tpu.memory_space<vmem>>)
    %dma_wait3A_15 = tpu.memref_slice %arg3[%add3A_5] : memref<640000xi32, #tpu.memory_space<hbm>> -> memref<10000xi32, #tpu.memory_space<hbm>>
    %dma_wait3A_16 = tpu.memref_slice %arg3[%add3A_5] : memref<640000xi32, #tpu.memory_space<hbm>> -> memref<10000xi32, #tpu.memory_space<hbm>>
    tpu.wait_dma2 semaphore(%arg11 : memref<!tpu.dma_semaphore, #tpu.memory_space<semaphore_mem>>) src(%dma_wait3A_16 : memref<10000xi32, #tpu.memory_space<hbm>>) dst(%arg6 : memref<10000xi32, #tpu.memory_space<vmem>>)
    %scan3A_17 = arith.constant 0 : i32
    %scan3A_18 = arith.constant 0 : i32
    %scan3A_19 = arith.constant 312 : i32
    %scan3A_20 = arith.addi %scan3A_18, %scan3A_19 : i32
    %scan3A_21 = arith.constant 1 : i32
    scf.for %scan3A_23 = %scan3A_18 to %scan3A_20 step %scan3A_21  : i32 {
      %mul3A_24 = arith.constant 32 : i32
      %mul3A_25 = arith.muli %scan3A_23, %mul3A_24 : i32
      %add3A_26 = arith.constant 0 : i32
      %add3A_27 = arith.addi %mul3A_25, %add3A_26 : i32
      %get3A = arith.index_cast %add3A_27 : i32 to index
      %get3A_28 = tpu.vector_load %arg5[%get3A] {strides = array<i32>} : memref<10000xi32, #tpu.memory_space<vmem>>, vector<16xi32>,
      %add3A_29 = arith.constant 16 : i32
      %add3A_30 = arith.addi %mul3A_25, %add3A_29 : i32
      %get3A_31 = arith.index_cast %add3A_30 : i32 to index
      %get3A_32 = tpu.vector_load %arg5[%get3A_31] {strides = array<i32>} : memref<10000xi32, #tpu.memory_space<vmem>>, vector<16xi32>,
      %add3A_33 = arith.constant 0 : i32
      %add3A_34 = arith.addi %mul3A_25, %add3A_33 : i32
      %get3A_35 = arith.index_cast %add3A_34 : i32 to index
      %get3A_36 = tpu.vector_load %arg6[%get3A_35] {strides = array<i32>} : memref<10000xi32, #tpu.memory_space<vmem>>, vector<16xi32>,
      %add3A_37 = arith.constant 16 : i32
      %add3A_38 = arith.addi %mul3A_25, %add3A_37 : i32
      %get3A_39 = arith.index_cast %add3A_38 : i32 to index
      %get3A_40 = tpu.vector_load %arg6[%get3A_39] {strides = array<i32>} : memref<10000xi32, #tpu.memory_space<vmem>>, vector<16xi32>,
      %add3A_41 = arith.constant 0 : i32
      %add3A_42 = vector.broadcast %add3A_41 : i32 to vector<16xi32>
      %add3A_43 = arith.addi %get3A_28, %add3A_42 : vector<16xi32>
      %gather3A = tpu.vector_load_idx %arg7[%add3A_43] : memref<40960xf32, #tpu.memory_space<vmem>>[vector<16xi32>], vector<16xf32>,
      %add3A_44 = arith.constant 10240 : i32
      %add3A_45 = vector.broadcast %add3A_44 : i32 to vector<16xi32>
      %add3A_46 = arith.addi %get3A_28, %add3A_45 : vector<16xi32>
      %gather3A_47 = tpu.vector_load_idx %arg7[%add3A_46] : memref<40960xf32, #tpu.memory_space<vmem>>[vector<16xi32>], vector<16xf32>,
      %add3A_48 = arith.constant 20480 : i32
      %add3A_49 = vector.broadcast %add3A_48 : i32 to vector<16xi32>
      %add3A_50 = arith.addi %get3A_28, %add3A_49 : vector<16xi32>
      %gather3A_51 = tpu.vector_load_idx %arg7[%add3A_50] : memref<40960xf32, #tpu.memory_space<vmem>>[vector<16xi32>], vector<16xf32>,
      %add3A_52 = arith.constant 30720 : i32
      %add3A_53 = vector.broadcast %add3A_52 : i32 to vector<16xi32>
      %add3A_54 = arith.addi %get3A_28, %add3A_53 : vector<16xi32>
      %gather3A_55 = tpu.vector_load_idx %arg7[%add3A_54] : memref<40960xf32, #tpu.memory_space<vmem>>[vector<16xi32>], vector<16xf32>,
      %add3A_56 = arith.constant 0 : i32
      %add3A_57 = vector.broadcast %add3A_56 : i32 to vector<16xi32>
      %add3A_58 = arith.addi %get3A_32, %add3A_57 : vector<16xi32>
      %gather3A_59 = tpu.vector_load_idx %arg7[%add3A_58] : memref<40960xf32, #tpu.memory_space<vmem>>[vector<16xi32>], vector<16xf32>,
      %add3A_60 = arith.constant 10240 : i32
      %add3A_61 = vector.broadcast %add3A_60 : i32 to vector<16xi32>
      %add3A_62 = arith.addi %get3A_32, %add3A_61 : vector<16xi32>
      %gather3A_63 = tpu.vector_load_idx %arg7[%add3A_62] : memref<40960xf32, #tpu.memory_space<vmem>>[vector<16xi32>], vector<16xf32>,
      %add3A_64 = arith.constant 20480 : i32
      %add3A_65 = vector.broadcast %add3A_64 : i32 to vector<16xi32>
      %add3A_66 = arith.addi %get3A_32, %add3A_65 : vector<16xi32>
      %gather3A_67 = tpu.vector_load_idx %arg7[%add3A_66] : memref<40960xf32, #tpu.memory_space<vmem>>[vector<16xi32>], vector<16xf32>,
      %add3A_68 = arith.constant 30720 : i32
      %add3A_69 = vector.broadcast %add3A_68 : i32 to vector<16xi32>
      %add3A_70 = arith.addi %get3A_32, %add3A_69 : vector<16xi32>
      %gather3A_71 = tpu.vector_load_idx %arg7[%add3A_70] : memref<40960xf32, #tpu.memory_space<vmem>>[vector<16xi32>], vector<16xf32>,
      %add3A_72 = arith.constant 0 : i32
      %add3A_73 = vector.broadcast %add3A_72 : i32 to vector<16xi32>
      %add3A_74 = arith.addi %get3A_36, %add3A_73 : vector<16xi32>
      tpu.vector_store_idx %arg8[%add3A_74], %gather3A {add = true} : memref<40960xf32, #tpu.memory_space<vmem>>[vector<16xi32>], vector<16xf32>,
      %add3A_75 = arith.constant 10240 : i32
      %add3A_76 = vector.broadcast %add3A_75 : i32 to vector<16xi32>
      %add3A_77 = arith.addi %get3A_36, %add3A_76 : vector<16xi32>
      tpu.vector_store_idx %arg8[%add3A_77], %gather3A_47 {add = true} : memref<40960xf32, #tpu.memory_space<vmem>>[vector<16xi32>], vector<16xf32>,
      %add3A_78 = arith.constant 20480 : i32
      %add3A_79 = vector.broadcast %add3A_78 : i32 to vector<16xi32>
      %add3A_80 = arith.addi %get3A_36, %add3A_79 : vector<16xi32>
      tpu.vector_store_idx %arg8[%add3A_80], %gather3A_51 {add = true} : memref<40960xf32, #tpu.memory_space<vmem>>[vector<16xi32>], vector<16xf32>,
      %add3A_81 = arith.constant 30720 : i32
      %add3A_82 = vector.broadcast %add3A_81 : i32 to vector<16xi32>
      %add3A_83 = arith.addi %get3A_36, %add3A_82 : vector<16xi32>
      tpu.vector_store_idx %arg8[%add3A_83], %gather3A_55 {add = true} : memref<40960xf32, #tpu.memory_space<vmem>>[vector<16xi32>], vector<16xf32>,
      %add3A_84 = arith.constant 0 : i32
      %add3A_85 = vector.broadcast %add3A_84 : i32 to vector<16xi32>
      %add3A_86 = arith.addi %get3A_40, %add3A_85 : vector<16xi32>
      tpu.vector_store_idx %arg8[%add3A_86], %gather3A_59 {add = true} : memref<40960xf32, #tpu.memory_space<vmem>>[vector<16xi32>], vector<16xf32>,
      %add3A_87 = arith.constant 10240 : i32
      %add3A_88 = vector.broadcast %add3A_87 : i32 to vector<16xi32>
      %add3A_89 = arith.addi %get3A_40, %add3A_88 : vector<16xi32>
      tpu.vector_store_idx %arg8[%add3A_89], %gather3A_63 {add = true} : memref<40960xf32, #tpu.memory_space<vmem>>[vector<16xi32>], vector<16xf32>,
      %add3A_90 = arith.constant 20480 : i32
      %add3A_91 = vector.broadcast %add3A_90 : i32 to vector<16xi32>
      %add3A_92 = arith.addi %get3A_40, %add3A_91 : vector<16xi32>
      tpu.vector_store_idx %arg8[%add3A_92], %gather3A_67 {add = true} : memref<40960xf32, #tpu.memory_space<vmem>>[vector<16xi32>], vector<16xf32>,
      %add3A_93 = arith.constant 30720 : i32
      %add3A_94 = vector.broadcast %add3A_93 : i32 to vector<16xi32>
      %add3A_95 = arith.addi %get3A_40, %add3A_94 : vector<16xi32>
      tpu.vector_store_idx %arg8[%add3A_95], %gather3A_71 {add = true} : memref<40960xf32, #tpu.memory_space<vmem>>[vector<16xi32>], vector<16xf32>,
    }
    %scan3A_22 = arith.constant 312 : i32
    "tpu.region"() ({
      %run_scoped3A = tpu.sem_alloc : memref<!tpu.dma_semaphore, #tpu.memory_space<semaphore_mem>>
      %dma_start3A_23 = arith.constant 0 : i32
      %dma_start3A_24 = tpu.memref_slice %arg4[%add3A, %dma_start3A_23] : memref<32x40960xf32, #tpu.memory_space<hbm>> -> memref<1x40960xf32, #tpu.memory_space<hbm>>
      %dma_start3A_25 = tpu.memref_squeeze %dma_start3A_24 : memref<1x40960xf32, #tpu.memory_space<hbm>> -> memref<40960xf32, #tpu.memory_space<hbm>>
      %dma_start3A_26 = arith.constant 0 : i32
      %dma_start3A_27 = tpu.memref_slice %arg4[%add3A, %dma_start3A_26] : memref<32x40960xf32, #tpu.memory_space<hbm>> -> memref<1x40960xf32, #tpu.memory_space<hbm>>
      %dma_start3A_28 = tpu.memref_squeeze %dma_start3A_27 : memref<1x40960xf32, #tpu.memory_space<hbm>> -> memref<40960xf32, #tpu.memory_space<hbm>>
      tpu.enqueue_dma source(%arg8 : memref<40960xf32, #tpu.memory_space<vmem>>) target(%dma_start3A_28 : memref<40960xf32, #tpu.memory_space<hbm>>) target_semaphore(%run_scoped3A : memref<!tpu.dma_semaphore, #tpu.memory_space<semaphore_mem>>)
      %dma_wait3A_29 = arith.constant 0 : i32
      %dma_wait3A_30 = tpu.memref_slice %arg4[%add3A, %dma_wait3A_29] : memref<32x40960xf32, #tpu.memory_space<hbm>> -> memref<1x40960xf32, #tpu.memory_space<hbm>>
      %dma_wait3A_31 = tpu.memref_squeeze %dma_wait3A_30 : memref<1x40960xf32, #tpu.memory_space<hbm>> -> memref<40960xf32, #tpu.memory_space<hbm>>
      %dma_wait3A_32 = arith.constant 0 : i32
      %dma_wait3A_33 = tpu.memref_slice %arg4[%add3A, %dma_wait3A_32] : memref<32x40960xf32, #tpu.memory_space<hbm>> -> memref<1x40960xf32, #tpu.memory_space<hbm>>
      %dma_wait3A_34 = tpu.memref_squeeze %dma_wait3A_33 : memref<1x40960xf32, #tpu.memory_space<hbm>> -> memref<40960xf32, #tpu.memory_space<hbm>>
      tpu.wait_dma2 semaphore(%run_scoped3A : memref<!tpu.dma_semaphore, #tpu.memory_space<semaphore_mem>>) src(%arg8 : memref<40960xf32, #tpu.memory_space<vmem>>) dst(%dma_wait3A_34 : memref<40960xf32, #tpu.memory_space<hbm>>)
      tpu.yield
    }) : () -> ()
    return
  }
}

module attributes {stable_mosaic.version = 14 : i64} {
  func.func @_prep_body(%arg0: i32, %arg1: memref<1024x128xf32, #tpu.memory_space<vmem>>, %arg2: memref<4x128xf32, #tpu.memory_space<vmem>>, %arg3: memref<32x1024xf32, #tpu.memory_space<vmem>>, %arg4: memref<4x1024xf32, #tpu.memory_space<vmem>>, %arg5: memref<1x1024xf32, #tpu.memory_space<vmem>>) attributes {dimension_semantics = [#tpu.dimension_semantics<arbitrary>], iteration_bounds = array<i64: 10>, scalar_prefetch = 0 : i64, scratch_operands = 0 : i64, tpu.core_type = #tpu.core_type<tc>, window_params = [{transform_indices = @transform_0, window_bounds = array<i64: 1024, 128>}, {pipeline_mode = #tpu.pipeline_mode<synchronous>, transform_indices = @transform_1, window_bounds = array<i64: 4, 128>}, {transform_indices = @transform_2, window_bounds = array<i64: 32, 1024>}, {transform_indices = @transform_3, window_bounds = array<i64: 4, 1024>}, {transform_indices = @transform_4, window_bounds = array<i64: 1, 1024>}]} {
    %get3A = arith.constant 0 : index
    %get3A_0 = arith.constant 0 : index
    %get3A_1 = vector.load %arg2[%get3A, %get3A_0] : memref<4x128xf32, #tpu.memory_space<vmem>>, vector<4x128xf32>
    %get3A_2 = arith.constant 0 : index
    %get3A_3 = arith.constant 0 : index
    %get3A_4 = vector.load %arg1[%get3A_2, %get3A_3] : memref<1024x128xf32, #tpu.memory_space<vmem>>, vector<1024x128xf32>
    %dot_general3A = arith.constant dense<0.000000e+00> : vector<4x1024xf32>
    %dot_general3A_5 = tpu.matmul %get3A_1, %get3A_4, %dot_general3A {dimension_numbers = #tpu.dot_dimension_numbers<[1], [1], [0], [0], [0, 0, 1, 0], [], []>, transpose_lhs_hint = false} : vector<4x128xf32>, vector<1024x128xf32>, vector<4x1024xf32> -> vector<4x1024xf32>
    %get3A_6 = arith.constant 0 : index
    %get3A_7 = arith.constant 0 : index
    %get3A_8 = vector.load %arg3[%get3A_6, %get3A_7] : memref<32x1024xf32, #tpu.memory_space<vmem>>, vector<32x1024xf32>
    %reduce_sum3A = arith.constant dense<0.000000e+00> : vector<1024xf32>
    %reduce_sum3A_9 = vector.multi_reduction <add>, %get3A_8, %reduce_sum3A [0] : vector<32x1024xf32> to vector<1024xf32>
    %broadcast_in_dim3A = vector.shape_cast %reduce_sum3A_9 : vector<1024xf32> to vector<1x1024xf32>
    %add3A = arith.constant 1.000000e+00 : f32
    %add3A_10 = vector.broadcast %add3A : f32 to vector<1x1024xf32>
    %add3A_11 = arith.addf %add3A_10, %broadcast_in_dim3A : vector<1x1024xf32>
    %rsqrt3A = math.rsqrt %add3A_11 : vector<1x1024xf32>
    %swap3A = arith.constant 0 : index
    %swap3A_12 = arith.constant 0 : index
    %swap3A_13 = vector.load %arg5[%swap3A, %swap3A_12] : memref<1x1024xf32, #tpu.memory_space<vmem>>, vector<1x1024xf32>
    tpu.vector_store %arg5[%swap3A, %swap3A_12], %rsqrt3A {strides = array<i32>} : memref<1x1024xf32, #tpu.memory_space<vmem>>, vector<1x1024xf32>,
    %broadcast_in_dim3A_14 = vector.shape_cast %rsqrt3A : vector<1x1024xf32> to vector<1x1024xf32>
    %broadcast_in_dim3A_15 = vector.broadcast %broadcast_in_dim3A_14 : vector<1x1024xf32> to vector<4x1024xf32>
    %mul3A = arith.mulf %dot_general3A_5, %broadcast_in_dim3A_15 : vector<4x1024xf32>
    %swap3A_16 = arith.constant 0 : index
    %swap3A_17 = arith.constant 0 : index
    %swap3A_18 = vector.load %arg4[%swap3A_16, %swap3A_17] : memref<4x1024xf32, #tpu.memory_space<vmem>>, vector<4x1024xf32>
    tpu.vector_store %arg4[%swap3A_16, %swap3A_17], %mul3A {strides = array<i32>} : memref<4x1024xf32, #tpu.memory_space<vmem>>, vector<4x1024xf32>,
    return
  }
  func.func @transform_0(%arg0: i32) -> (i32, i32) {
    %c0_i32 = arith.constant 0 : i32
    %c0_i32_0 = arith.constant 0 : i32
    return %arg0, %c0_i32 : i32, i32
  }
  func.func @transform_1(%arg0: i32) -> (i32, i32) {
    %c0_i32 = arith.constant 0 : i32
    %c0_i32_0 = arith.constant 0 : i32
    %c0_i32_1 = arith.constant 0 : i32
    return %c0_i32, %c0_i32_0 : i32, i32
  }
  func.func @transform_2(%arg0: i32) -> (i32, i32) {
    %c0_i32 = arith.constant 0 : i32
    %c0_i32_0 = arith.constant 0 : i32
    return %c0_i32, %arg0 : i32, i32
  }
  func.func @transform_3(%arg0: i32) -> (i32, i32) {
    %c0_i32 = arith.constant 0 : i32
    %c0_i32_0 = arith.constant 0 : i32
    return %c0_i32, %arg0 : i32, i32
  }
  func.func @transform_4(%arg0: i32) -> (i32, i32) {
    %c0_i32 = arith.constant 0 : i32
    %c0_i32_0 = arith.constant 0 : i32
    return %c0_i32, %arg0 : i32, i32
  }
}

module attributes {stable_mosaic.version = 14 : i64} {
  func.func @_mid_body(%arg0: i32, %arg1: memref<32x4x1024xf32, #tpu.memory_space<vmem>>, %arg2: memref<4x1024xf32, #tpu.memory_space<vmem>>, %arg3: memref<1x1024xf32, #tpu.memory_space<vmem>>, %arg4: memref<4x4xf32, #tpu.memory_space<vmem>>, %arg5: memref<4x1024xf32, #tpu.memory_space<vmem>>, %arg6: memref<4x1024xf32, #tpu.memory_space<vmem>>) attributes {dimension_semantics = [#tpu.dimension_semantics<arbitrary>], iteration_bounds = array<i64: 10>, scalar_prefetch = 0 : i64, scratch_operands = 0 : i64, tpu.core_type = #tpu.core_type<tc>, window_params = [{transform_indices = @transform_0, window_bounds = array<i64: 32, 4, 1024>}, {transform_indices = @transform_1, window_bounds = array<i64: 4, 1024>}, {transform_indices = @transform_2, window_bounds = array<i64: 1, 1024>}, {pipeline_mode = #tpu.pipeline_mode<synchronous>, transform_indices = @transform_3, window_bounds = array<i64: 4, 4>}, {transform_indices = @transform_4, window_bounds = array<i64: 4, 1024>}, {transform_indices = @transform_5, window_bounds = array<i64: 4, 1024>}]} {
    %get3A = arith.constant 0 : index
    %get3A_0 = arith.constant 0 : index
    %get3A_1 = arith.constant 0 : index
    %get3A_2 = vector.load %arg1[%get3A, %get3A_0, %get3A_1] : memref<32x4x1024xf32, #tpu.memory_space<vmem>>, vector<32x4x1024xf32>
    %reduce_sum3A = arith.constant dense<0.000000e+00> : vector<4x1024xf32>
    %reduce_sum3A_3 = vector.multi_reduction <add>, %get3A_2, %reduce_sum3A [0] : vector<32x4x1024xf32> to vector<4x1024xf32>
    %get3A_4 = arith.constant 0 : index
    %get3A_5 = arith.constant 0 : index
    %get3A_6 = vector.load %arg2[%get3A_4, %get3A_5] : memref<4x1024xf32, #tpu.memory_space<vmem>>, vector<4x1024xf32>
    %add3A = arith.addf %reduce_sum3A_3, %get3A_6 : vector<4x1024xf32>
    %get3A_7 = arith.constant 0 : index
    %get3A_8 = arith.constant 0 : index
    %get3A_9 = vector.load %arg3[%get3A_7, %get3A_8] : memref<1x1024xf32, #tpu.memory_space<vmem>>, vector<1x1024xf32>
    %broadcast_in_dim3A = vector.shape_cast %get3A_9 : vector<1x1024xf32> to vector<1x1024xf32>
    %broadcast_in_dim3A_10 = vector.broadcast %broadcast_in_dim3A : vector<1x1024xf32> to vector<4x1024xf32>
    %mul3A = arith.mulf %broadcast_in_dim3A_10, %add3A : vector<4x1024xf32>
    %get3A_11 = arith.constant 0 : index
    %get3A_12 = arith.constant 0 : index
    %get3A_13 = vector.load %arg5[%get3A_11, %get3A_12] : memref<4x1024xf32, #tpu.memory_space<vmem>>, vector<4x1024xf32>
    %add3A_14 = arith.addf %mul3A, %get3A_13 : vector<4x1024xf32>
    %tanh3A = math.tanh %add3A_14 : vector<4x1024xf32>
    %get3A_15 = arith.constant 0 : index
    %get3A_16 = arith.constant 0 : index
    %get3A_17 = vector.load %arg4[%get3A_15, %get3A_16] : memref<4x4xf32, #tpu.memory_space<vmem>>, vector<4x4xf32>
    %dot_general3A = arith.constant dense<0.000000e+00> : vector<4x1024xf32>
    %dot_general3A_18 = tpu.matmul %get3A_17, %tanh3A, %dot_general3A {dimension_numbers = #tpu.dot_dimension_numbers<[1], [0], [0], [1], [0, 0, 1, 1], [], []>, transpose_lhs_hint = false} : vector<4x4xf32>, vector<4x1024xf32>, vector<4x1024xf32> -> vector<4x1024xf32>
    %mul3A_19 = arith.mulf %broadcast_in_dim3A_10, %dot_general3A_18 : vector<4x1024xf32>
    %swap3A = arith.constant 0 : index
    %swap3A_20 = arith.constant 0 : index
    %swap3A_21 = vector.load %arg6[%swap3A, %swap3A_20] : memref<4x1024xf32, #tpu.memory_space<vmem>>, vector<4x1024xf32>
    tpu.vector_store %arg6[%swap3A, %swap3A_20], %mul3A_19 {strides = array<i32>} : memref<4x1024xf32, #tpu.memory_space<vmem>>, vector<4x1024xf32>,
    return
  }
  func.func @transform_0(%arg0: i32) -> (i32, i32, i32) {
    %c0_i32 = arith.constant 0 : i32
    %c0_i32_0 = arith.constant 0 : i32
    %c0_i32_1 = arith.constant 0 : i32
    return %c0_i32, %c0_i32_0, %arg0 : i32, i32, i32
  }
  func.func @transform_1(%arg0: i32) -> (i32, i32) {
    %c0_i32 = arith.constant 0 : i32
    %c0_i32_0 = arith.constant 0 : i32
    return %c0_i32, %arg0 : i32, i32
  }
  func.func @transform_2(%arg0: i32) -> (i32, i32) {
    %c0_i32 = arith.constant 0 : i32
    %c0_i32_0 = arith.constant 0 : i32
    return %c0_i32, %arg0 : i32, i32
  }
  func.func @transform_3(%arg0: i32) -> (i32, i32) {
    %c0_i32 = arith.constant 0 : i32
    %c0_i32_0 = arith.constant 0 : i32
    %c0_i32_1 = arith.constant 0 : i32
    return %c0_i32, %c0_i32_0 : i32, i32
  }
  func.func @transform_4(%arg0: i32) -> (i32, i32) {
    %c0_i32 = arith.constant 0 : i32
    %c0_i32_0 = arith.constant 0 : i32
    return %c0_i32, %arg0 : i32, i32
  }
  func.func @transform_5(%arg0: i32) -> (i32, i32) {
    %c0_i32 = arith.constant 0 : i32
    %c0_i32_0 = arith.constant 0 : i32
    return %c0_i32, %arg0 : i32, i32
  }
}

module attributes {stable_mosaic.version = 14 : i64} {
  func.func @_fin_body(%arg0: i32, %arg1: memref<32x4x1024xf32, #tpu.memory_space<vmem>>, %arg2: memref<4x1024xf32, #tpu.memory_space<vmem>>, %arg3: memref<1x1024xf32, #tpu.memory_space<vmem>>, %arg4: memref<4x1024xf32, #tpu.memory_space<vmem>>, %arg5: memref<8x4xf32, #tpu.memory_space<vmem>>, %arg6: memref<8x1024xf32, #tpu.memory_space<vmem>>, %arg7: memref<1024x4xf32, #tpu.memory_space<vmem>>, %arg8: memref<1024x8xf32, #tpu.memory_space<vmem>>) attributes {dimension_semantics = [#tpu.dimension_semantics<arbitrary>], iteration_bounds = array<i64: 10>, scalar_prefetch = 0 : i64, scratch_operands = 0 : i64, tpu.core_type = #tpu.core_type<tc>, window_params = [{transform_indices = @transform_0, window_bounds = array<i64: 32, 4, 1024>}, {transform_indices = @transform_1, window_bounds = array<i64: 4, 1024>}, {transform_indices = @transform_2, window_bounds = array<i64: 1, 1024>}, {transform_indices = @transform_3, window_bounds = array<i64: 4, 1024>}, {pipeline_mode = #tpu.pipeline_mode<synchronous>, transform_indices = @transform_4, window_bounds = array<i64: 8, 4>}, {transform_indices = @transform_5, window_bounds = array<i64: 8, 1024>}, {transform_indices = @transform_6, window_bounds = array<i64: 1024, 4>}, {transform_indices = @transform_7, window_bounds = array<i64: 1024, 8>}]} {
    %get3A = arith.constant 0 : index
    %get3A_0 = arith.constant 0 : index
    %get3A_1 = arith.constant 0 : index
    %get3A_2 = vector.load %arg1[%get3A, %get3A_0, %get3A_1] : memref<32x4x1024xf32, #tpu.memory_space<vmem>>, vector<32x4x1024xf32>
    %reduce_sum3A = arith.constant dense<0.000000e+00> : vector<4x1024xf32>
    %reduce_sum3A_3 = vector.multi_reduction <add>, %get3A_2, %reduce_sum3A [0] : vector<32x4x1024xf32> to vector<4x1024xf32>
    %get3A_4 = arith.constant 0 : index
    %get3A_5 = arith.constant 0 : index
    %get3A_6 = vector.load %arg2[%get3A_4, %get3A_5] : memref<4x1024xf32, #tpu.memory_space<vmem>>, vector<4x1024xf32>
    %add3A = arith.addf %reduce_sum3A_3, %get3A_6 : vector<4x1024xf32>
    %get3A_7 = arith.constant 0 : index
    %get3A_8 = arith.constant 0 : index
    %get3A_9 = vector.load %arg3[%get3A_7, %get3A_8] : memref<1x1024xf32, #tpu.memory_space<vmem>>, vector<1x1024xf32>
    %broadcast_in_dim3A = vector.shape_cast %get3A_9 : vector<1x1024xf32> to vector<1x1024xf32>
    %broadcast_in_dim3A_10 = vector.broadcast %broadcast_in_dim3A : vector<1x1024xf32> to vector<4x1024xf32>
    %mul3A = arith.mulf %broadcast_in_dim3A_10, %add3A : vector<4x1024xf32>
    %get3A_11 = arith.constant 0 : index
    %get3A_12 = arith.constant 0 : index
    %get3A_13 = vector.load %arg4[%get3A_11, %get3A_12] : memref<4x1024xf32, #tpu.memory_space<vmem>>, vector<4x1024xf32>
    %add3A_14 = arith.addf %mul3A, %get3A_13 : vector<4x1024xf32>
    %tanh3A = math.tanh %add3A_14 : vector<4x1024xf32>
    %transpose3A = tpu.transpose %tanh3A, [1, 0] : vector<4x1024xf32> -> vector<1024x4xf32>
    %swap3A = arith.constant 0 : index
    %swap3A_15 = arith.constant 0 : index
    %swap3A_16 = vector.load %arg7[%swap3A, %swap3A_15] : memref<1024x4xf32, #tpu.memory_space<vmem>>, vector<1024x4xf32>
    tpu.vector_store %arg7[%swap3A, %swap3A_15], %transpose3A {strides = array<i32>} : memref<1024x4xf32, #tpu.memory_space<vmem>>, vector<1024x4xf32>,
    %get3A_17 = arith.constant 0 : index
    %get3A_18 = arith.constant 0 : index
    %get3A_19 = vector.load %arg5[%get3A_17, %get3A_18] : memref<8x4xf32, #tpu.memory_space<vmem>>, vector<8x4xf32>
    %dot_general3A = arith.constant dense<0.000000e+00> : vector<8x1024xf32>
    %dot_general3A_20 = tpu.matmul %get3A_19, %tanh3A, %dot_general3A {dimension_numbers = #tpu.dot_dimension_numbers<[1], [0], [0], [1], [0, 0, 1, 1], [], []>, transpose_lhs_hint = false} : vector<8x4xf32>, vector<4x1024xf32>, vector<8x1024xf32> -> vector<8x1024xf32>
    %get3A_21 = arith.constant 0 : index
    %get3A_22 = arith.constant 0 : index
    %get3A_23 = vector.load %arg6[%get3A_21, %get3A_22] : memref<8x1024xf32, #tpu.memory_space<vmem>>, vector<8x1024xf32>
    %add3A_24 = arith.addf %dot_general3A_20, %get3A_23 : vector<8x1024xf32>
    %transpose3A_25 = tpu.transpose %add3A_24, [1, 0] : vector<8x1024xf32> -> vector<1024x8xf32>
    %swap3A_26 = arith.constant 0 : index
    %swap3A_27 = arith.constant 0 : index
    %swap3A_28 = vector.load %arg8[%swap3A_26, %swap3A_27] : memref<1024x8xf32, #tpu.memory_space<vmem>>, vector<1024x8xf32>
    tpu.vector_store %arg8[%swap3A_26, %swap3A_27], %transpose3A_25 {strides = array<i32>} : memref<1024x8xf32, #tpu.memory_space<vmem>>, vector<1024x8xf32>,
    return
  }
  func.func @transform_0(%arg0: i32) -> (i32, i32, i32) {
    %c0_i32 = arith.constant 0 : i32
    %c0_i32_0 = arith.constant 0 : i32
    %c0_i32_1 = arith.constant 0 : i32
    return %c0_i32, %c0_i32_0, %arg0 : i32, i32, i32
  }
  func.func @transform_1(%arg0: i32) -> (i32, i32) {
    %c0_i32 = arith.constant 0 : i32
    %c0_i32_0 = arith.constant 0 : i32
    return %c0_i32, %arg0 : i32, i32
  }
  func.func @transform_2(%arg0: i32) -> (i32, i32) {
    %c0_i32 = arith.constant 0 : i32
    %c0_i32_0 = arith.constant 0 : i32
    return %c0_i32, %arg0 : i32, i32
  }
  func.func @transform_3(%arg0: i32) -> (i32, i32) {
    %c0_i32 = arith.constant 0 : i32
    %c0_i32_0 = arith.constant 0 : i32
    return %c0_i32, %arg0 : i32, i32
  }
  func.func @transform_4(%arg0: i32) -> (i32, i32) {
    %c0_i32 = arith.constant 0 : i32
    %c0_i32_0 = arith.constant 0 : i32
    %c0_i32_1 = arith.constant 0 : i32
    return %c0_i32, %c0_i32_0 : i32, i32
  }
  func.func @transform_5(%arg0: i32) -> (i32, i32) {
    %c0_i32 = arith.constant 0 : i32
    %c0_i32_0 = arith.constant 0 : i32
    return %c0_i32, %arg0 : i32, i32
  }
  func.func @transform_6(%arg0: i32) -> (i32, i32) {
    %c0_i32 = arith.constant 0 : i32
    %c0_i32_0 = arith.constant 0 : i32
    return %arg0, %c0_i32 : i32, i32
  }
  func.func @transform_7(%arg0: i32) -> (i32, i32) {
    %c0_i32 = arith.constant 0 : i32
    %c0_i32_0 = arith.constant 0 : i32
    return %arg0, %c0_i32 : i32, i32
  }
}

</mosaic_0001>

<sc_bundles>
// kernel: kernel.10.cloned.1.call-start
scs
__scs_entry_jumppad:
0x0: {  	(pc) =	sbr.rel $0x88, $3  }
0x1: {  	(tag) =	ssettag $0x0;
	lr =	simm.s32 $0x1  }
0x2: {  	[smem:$0x3F97] =	sst lr;
	_ =	strace $0xD0000000  }
0x3: {  	_ = 	snop  }
0x4: {  	_ = 	snop  }
0x5: {  	_ = 	snop  }
0x6: {  	_ = 	snop  }
0x7: {  	_ = 	snop  }
__scs_overlays_trampoline_lowered:
0x8: {  	[smem:$0x3FA6] =	sst s0  }
0x9: {  	[smem:$0x3FA7] =	sst s1  }
0xa: {  	[smem:$0x3FA8] =	sst s2  }
0xb: {  	[smem:$0x3FA9] =	sst s3  }
0xc: {  	[smem:$0x3FAA] =	sst s4  }
0xd: {  	[smem:$0x3FAB] =	sst s5  }
0xe: {  	[smem:$0x3FAC] =	sst s6  }
0xf: {  	[smem:$0x3FAD] =	sst s7  }
0x10: {  	[smem:$0x3FAE] =	sst s8  }
0x11: {  	[smem:$0x3FAF] =	sst s9;
	s0 =	simm.s32 @!p0 $0x0  }
0x12: {  	s1 =	sld [smem:$0x3F95];
	s0 =	simm.s32 @p0 $0x1  }
0x13: {  	[smem:$0x3FB0] =	sst s0;
	s0 =	simm.s32 @!p1 $0x0  }
0x14: {  	s2 =	sld [smem:$0x3F94];
	s0 =	simm.s32 @p1 $0x1  }
0x15: {  	[smem:$0x3FB1] =	sst s0;
	s0 =	simm.s32 @!p2 $0x0  }
0x16: {  	s3 =	sld [smem:$0x3FDB];
	s0 =	simm.s32 @p2 $0x1  }
0x17: {  	s4 =	simm.s32 $0x1BF5;
	[smem:$0x3FB3] =	sst s0  }
0x18: {  	s0 =	sld [smem:$0x3F96];
	_ =	swait.ge [sflag:s4], $0x0  }
0x19: {  	s7 =	sld [smem:$0x3F97]  }
0x1a: {  	s8 =	sadd.s32 $0xFFFFE003, lr  }
0x1b: {  	s9 =	sadd.s32 $0xFFFFFEF7, lr;
	s5 =	simm.s32 $0xFFFFFFFF;
	p2 =	slt.u32 s8, $0xFFFFF086  }
0x1c: {  	p1 =	slt.u32 s9, $0xF7A;
	s5 =	simm.s32 @!p2 $0x0  }
0x1d: {  	s5 =	simm.s32 @p1 $0x1;
	p0 =	seq.s32 s7, s2  }
0x1e: {  	s7 =	smul.u32 @!p0 $0xF7A, s2;
	p2 =	seq.s32 @!p0 s5, $0x0  }
0x1f: {  	s9 =	smul.u32 $0xF7A, s1;
	s8 =	simm.s32 @!p0 $0x1BF5;
	p2 =	por !p2, p0  }
0x20: {  	[sflag:s8] =	ssyncset.s32 @!p0 $0xFFFFF086;
	s6 =	sadd.s32 @!p0 s3, s7;
	s7 =	simm.s32 @!p0 $0x108  }
0x21: {  	s3 =	sadd.s32 s3, s9;
	s6 =	sadd.s32 @!p0 $0x88, s6;
	s7 =	simm.s32 @p2 $0x1082  }
0x22: {  	[simem:s7], [sflag:s8] =	dma.local @!p0 [hbm:s6], $0xF7A  }
0x23: {  	s9 =	sor.u32 $0xD0000000, s2;
	s6 =	simm.s32 $0x108;
	_ =	swait.ge @!p0 [sflag:s8], $0x0  }
0x24: {  	s3 =	sadd.s32 $0x88, s3;
	s6 =	simm.s32 @!p1 $0x1082;
	[sflag:s4] =	ssyncset.s32 $0xFFFFF086  }
0x25: {  	[simem:s6], [sflag:s4] =	dma.local [hbm:s3], $0xF7A  }
0x26: {  	[smem:$0x3F97] =	sst s1;
	(tag) =	ssettag s2;
	_ =	strace s9  }
0x27: {  	s1 =	sld [smem:$0x3FA7]  }
0x28: {  	s2 =	sld [smem:$0x3FA8]  }
0x29: {  	s4 =	sld [smem:$0x3FAA]  }
0x2a: {  	p0 =	seq.s32 s5, $0x0;
	s5 =	sld [smem:$0x3FAB]  }
0x2b: {  	s6 =	sld [smem:$0x3FAC]  }
0x2c: {  	s7 =	sld [smem:$0x3FAD]  }
0x2d: {  	s3 =	simm.s32 $0x108;
	s8 =	sld [smem:$0x3FAE]  }
0x2e: {  	s3 =	simm.s32 @!p0 $0x1082;
	s9 =	sld [smem:$0x3FAF]  }
0x2f: {  	lr =	sadd.s32 s0, s3;
	s0 =	sld [smem:$0x3FA6]  }
0x30: {  	s3 =	sld [smem:$0x3FA9]  }
0x31: {  	[smem:$0x3FB2] =	sst s10  }
0x32: {  	s10 =	sld [smem:$0x3FB0];
	_ =	sdelay $0x3  }
0x33: {  	p0 =	seq.s32 s10, $0x1;
	s10 =	sld [smem:$0x3FB2];
	_ =	sdelay $0x3  }
0x34: {  	[smem:$0x3FB2] =	sst s10  }
0x35: {  	s10 =	sld [smem:$0x3FB1];
	_ =	sdelay $0x3  }
0x36: {  	p1 =	seq.s32 s10, $0x1;
	s10 =	sld [smem:$0x3FB2];
	_ =	sdelay $0x3  }
0x37: {  	[smem:$0x3FB2] =	sst s10  }
0x38: {  	s10 =	sld [smem:$0x3FB3]  }
0x39: {  	_ = 	snop;
	(pc) =	sbr.ind lr, $3  }
0x3a: {  	_ = 	snop  }
0x3b: {  	_ = 	snop  }
0x3c: {  	p2 =	seq.s32 s10, $0x1;
	s10 =	sld [smem:$0x3FB2]  }
0x3d: {  	_ =	shalt  }
0x3e: {  	_ =	shalt  }
0x3f: {  	_ =	shalt  }
0x40: {  	_ =	shalt  }
0x41: {  	_ =	shalt  }
0x42: {  	_ =	shalt  }
0x43: {  	_ =	shalt  }
0x44: {  	_ =	shalt  }
0x45: {  	_ =	shalt  }
0x46: {  	_ =	shalt  }
0x47: {  	_ =	shalt  }
0x48: {  	_ =	shalt  }
0x49: {  	_ =	shalt  }
0x4a: {  	_ =	shalt  }
0x4b: {  	_ =	shalt  }
0x4c: {  	_ =	shalt  }
0x4d: {  	_ =	shalt  }
0x4e: {  	_ =	shalt  }
0x4f: {  	_ =	shalt  }
0x50: {  	_ =	shalt  }
0x51: {  	_ =	shalt  }
0x52: {  	_ =	shalt  }
0x53: {  	_ =	shalt  }
0x54: {  	_ =	shalt  }
0x55: {  	_ =	shalt  }
0x56: {  	_ =	shalt  }
0x57: {  	_ =	shalt  }
0x58: {  	_ =	shalt  }
0x59: {  	_ =	shalt  }
0x5a: {  	_ =	shalt  }
0x5b: {  	_ =	shalt  }
0x5c: {  	_ =	shalt  }
0x5d: {  	_ =	shalt  }
0x5e: {  	_ =	shalt  }
0x5f: {  	_ =	shalt  }
0x60: {  	_ =	shalt  }
0x61: {  	_ =	shalt  }
0x62: {  	_ =	shalt  }
0x63: {  	_ =	shalt  }
0x64: {  	_ =	shalt  }
0x65: {  	_ =	shalt  }
0x66: {  	_ =	shalt  }
0x67: {  	_ =	shalt  }
0x68: {  	_ =	shalt  }
0x69: {  	_ =	shalt  }
0x6a: {  	_ =	shalt  }
0x6b: {  	_ =	shalt  }
0x6c: {  	_ =	shalt  }
0x6d: {  	_ =	shalt  }
0x6e: {  	_ =	shalt  }
0x6f: {  	_ =	shalt  }
0x70: {  	_ =	shalt  }
0x71: {  	_ =	shalt  }
0x72: {  	_ =	shalt  }
0x73: {  	_ =	shalt  }
0x74: {  	_ =	shalt  }
0x75: {  	_ =	shalt  }
0x76: {  	_ =	shalt  }
0x77: {  	_ =	shalt  }
0x78: {  	_ =	shalt  }
0x79: {  	_ =	shalt  }
0x7a: {  	_ =	shalt  }
0x7b: {  	_ =	shalt  }
0x7c: {  	_ =	shalt  }
0x7d: {  	_ =	shalt  }
0x7e: {  	_ =	shalt  }
0x7f: {  	_ =	shalt  }
0x80: {  	_ =	shalt  }
0x81: {  	_ =	shalt  }
0x82: {  	_ =	shalt  }
0x83: {  	_ =	shalt  }
0x84: {  	_ =	shalt  }
0x85: {  	_ =	shalt  }
0x86: {  	_ =	shalt  }
0x87: {  	_ =	shalt  }
.Lfunc_end0:
.L_simem_size_0:
called_computation_lowered:
.L_overlay_start_0:
0x88: {  	s2 =	sld [smem:$0x3FD9]  }
0x89: {  	s3 =	sld [smem:$0x3FFE];
	_ =	sdelay $0x1  }
0x8a: {  	s1 =	srdreg.scid  }
0x8b: {  	s0 =	sand.u32 $0x1, s1  }
0x8c: {  	s16 =	sshll.u32 s0, $0xA;
	s2 =	sadd.s32 s3, s2  }
0x8d: {  	s2 =	sadd.s32 s2, s16  }
0x8e: {  	[smem:$0x3FBE] =	sst s2  }
0x8f: {  	_ = 	snop  }
0x90: {  	(tm) =	ssettm $0x1  }
0x91: {  	s17 =	sld [smem:$0x3FFB];
	_ =	sdelay $0x3  }
0x92: {  	_ =	strace s17  }
0x93: {  	s2 =	sld [smem:$0x3FFC];
	_ =	sdelay $0x3  }
0x94: {  	_ =	strace s2  }
0x95: {  	s2 =	sld [smem:$0x3FFD];
	_ =	sdelay $0x3  }
0x96: {  	_ =	strace s2  }
0x97: {  	_ =	strace $0x8FFFFFFF  }
0x98: {  	s18 =	sld [smem:$0x3FDB];
	_ =	sdelay $0x1  }
0x99: {  	s19 =	simm.s32 $_scs_section_size  }
0x9a: {  	s4 =	simm.s32 $_size__tile_overlayer_lowered;
	s5 =	simm.s32 $_tile_overlayer_lowered  }
0x9b: {  	s22 =	simm.s32 $0x1BFF;
	s21 =	sshll.u32 s5, $0x1;
	s2 =	sadd.s32 s19, s18  }
0x9c: {  	s6 =	simm.s32 $0x0;
	s20 =	sshll.u32 s4, $0x1;
	s4 =	sadd.s32 s21, s2  }
0x9d: {  	[timem:s6], [sflag:s22] =	dma.local [hbm:s4], s20  }
0x9e: {  	_ =	swait.ge [sflag:s22], s20  }
0x9f: {  	s3 =	ssub.s32 $0x0, s20;
	[sflag:s22] =	ssyncset.done $0x0  }
0xa0: {  	[sflag:s22] =	ssyncadd.s32 s3;
	_ =	sdelay $0x1  }
0xa1: {  	s23 =	simm.s32 $0x1B8B  }
0xa2: {  	_ =	swait.ge [sflag:s23], $0x1  }
0xa3: {  	[sflag:s23] =	ssyncset.done $0x0  }
0xa4: {  	s25 =	simm.s32 $0x1B8E;
	s24 =	sld [smem:$0x3FFE];
	[sflag:s23] =	ssyncadd.s32 $0xFFFFFFFF  }
0xa5: {  	s26 =	simm.s32 $execute0_lowered;
	[smem:$0x3FD2] =	sst s25  }
0xa6: {  	s4 =	sshll.u32 s26, $0x1;
	_ =	strace $0x80000046;
	[dreg:$0x1] =	wrdreg $0xFFFFFFFF  }
0xa7: {  	s28 =	simm.s32 $_size_execute0_lowered;
	s2 =	sadd.s32 s2, s4;
	[dreg:$0x0] =	wrdreg $0x0  }
0xa8: {  	s4 =	sshll.u32 s28, $0x1;
	[dreg:$0x2] =	wrdreg s2  }
0xa9: {  	[dreg:$0x3] =	wrdreg s4  }
0xaa: {  	[dreg:$0x4] =	wrdreg $0xC0  }
0xab: {  	_ =	task [dreg:s6], $0x5FFFF  }
0xac: {  	[dreg:$0x1] =	wrdreg $0xFFFFFFFF  }
0xad: {  	[dreg:$0x0] =	wrdreg $0x60  }
0xae: {  	[dreg:$0x2] =	wrdreg s24  }
0xaf: {  	[dreg:$0x3] =	wrdreg $0x9  }
0xb0: {  	_ =	task.clear_ibuf [dreg:s6], $0x4FFFF;
	_ =	strace $0x90000046  }
0xb1: {  	s29 =	simm.s32 $0x9;
	_ =	strace $0x80000048  }
0xb2: {  	_ =	swait.ge [sflag:s29], $0x1  }
0xb3: {  	[sflag:s29] =	ssyncadd.s32 $0xFFFFFFFF  }
0xb4: {  	_ =	strace $0x90000048  }
0xb5: {  	_ =	sfence  }
0xb6: {  	s30 =	sld [smem:$0x0];
	_ =	sdelay $0x2  }
0xb7: {  	s31 =	sshll.u32 s1, $0xD;
	s1 =	sshrl.u32 s1, $0x2  }
0xb8: {  	s3 =	sand.u32 $0x4000, s31;
	s1 =	sadd.s32 s1, s30  }
0xb9: {  	s0 =	sor.u32 s3, s0;
	s1 =	sshll.u32 s1, $0x11  }
0xba: {  	s0 =	sor.u32 s1, s0  }
0xbb: {  	s0 =	sadd.s32 $0x8F2B, s0  }
0xbc: {  	[sflag:s0] =	ssyncadd.remote.s32 $0x1  }
0xbd: {  	_ =	sfence.sel $0xFFFF  }
0xbe: {  	[dreg:$0x0] =	wrdreg $0xFFFFFFFF;
	(pc) =	sbr.abs _section_cstart, $3  }
0xbf: {  	[dreg:$0x1] =	wrdreg $0xFFFFFFFF  }
0xc0: {  	_ =	task.clear_ibuf [dreg:s6], $0x2FFFF;
	_ =	strace $0x9FFFFFFF  }
0xc1: {  	(tm) =	ssettm $0x7FFFFFFF  }
tec
execute0_lowered:
.L_overlay_start_1:
0x0: {  	(tag) =	ssettag $0x1  }
0x1: {  	s1 =	srdreg.scid;
	s0 =	stileid.u32  }
0x2: {  	s3 =	rddreg [dreg:$0x0];
	s8 =	simm.s32 $0x80;
	s9 =	simm.s32 $0x400  }
0x3: {  	s10 =	simm.s32 $0x2;
	s4 =	sand.u32 $0x1, s1;
	s2 =	sshll.u32 s0, $0x1  }
0x4: {  	s11 =	simm.s32 $0x0;
	s6 =	sshrl.u32 s0, $0x2;
	s5 =	sor.u32 s4, s2  }
0x5: {  	s1 =	rddreg [dreg:$0x1];
	s6 =	smul.u32 $0x14000, s6;
	s7 =	sshll.u32 s5, $0x7  }
0x6: {  	s2 =	simm.s32 $0x0;
	s4 =	ssub.s32 $0x2, s4;
	s7 =	sand.u32 $0x380, s7  }
0x7: {  	[smem:$0x7FF] =	sst s2;
	s5 =	smul.u32 $0x2710, s5;
	s6 =	sor.u32 s6, s7  }
0x8: {  	s31 =	sshrl.u32 s4, $0x1;
	_ =	strace $0x80000047;
	s6 =	sshrl.u32 s6, $0x3  }
0x9: {  	s5 =	sshrl.u32 s5, $0x3;
	s7 =	ssub.s32 s4, s31;
	s6 =	sadd.s32 s6, s3  }
0xa: {  	s3 =	sadd.s32 s3, s5;
	s5 =	smax.u32 s7, $0x1;
	s7 =	simm.s32 $0x2780  }
0xb: {  	v0 =	vimm.f32 $0.0e+00;
	v1 =	vimm.f32 $1.000000000e+00;
	s3 =	sadd.s32 $0xCA40, s3;
	s4 =	sadd.s32 $0x16800, s6;
	s6 =	simm.s32 $0x1  }
.LBB2_1:
0xc: {  	[tilespmem:s2], [sflag:$0x1] =	stream.linear.gather [hbm4b:s3+s2], $0x2710, $0x38;
	[tilespmem:$0x4F80] =	vst v63  }
0xd: {  	s13 =	simm.s32 $0x100;
	s12 =	simm.s32 $0x0  }
.LBB2_2:
0xe: {  	p0 =	sne.s32 s13, $0x9F00;
	[tilespmem:s12+$0x27B0] =	vst v0;
	s14 =	smov.u32 s13;
	s13 =	sadd.s32 $0x100, s13  }
.Ltmp0:
0xf: {  	[tilespmem:s12+$0x27A0] =	vst v0;
	(pc) =	sbr.rel @p0 .LBB2_2-.Ltmp0, $3  }
0x10: {  	[tilespmem:s12+$0x2780] =	vst v0  }
0x11: {  	[tilespmem:s12+$0x2790] =	vst v0;
	_ =	sdelay $0x1  }
0x12: {  	s12 =	sshra.s32 s14, $0x2  }
0x13: {  	[tilespmem:s12+$0x27B0] =	vst v0  }
0x14: {  	[tilespmem:s12+$0x27A0] =	vst v0  }
0x15: {  	[tilespmem:s12+$0x2780] =	vst v0  }
0x16: {  	[tilespmem:s12+$0x2790] =	vst v0  }
0x17: {  	_ =	swait.ge [sflag:s6], $0x2710  }
0x18: {  	[sflag:s6] =	ssyncset.done $0x0  }
0x19: {  	s12 =	simm.s32 $0x0;
	[sflag:s6] =	ssyncadd.s32 $0xFFFFD8F0  }
.LBB2_4:
0x1a: {  	s13 =	sshra.s32 s12, $0x2  }
0x1b: {  	v2 =	vld [tilespmem:s13+$0x0];
	_ =	sdelay $0x7  }
0x1c: {  	[tilespmem:v2+s7+$0x0] =	vst.idx.add.f32.msk $0xffff, v1  }
0x1d: {  	v2 =	vld [tilespmem:s13+$0x10];
	_ =	sdelay $0x7  }
0x1e: {  	[tilespmem:v2+s7+$0x0] =	vst.idx.add.f32.msk $0xffff, v1  }
0x1f: {  	v2 =	vld [tilespmem:s13+$0x20];
	_ =	sdelay $0x7  }
0x20: {  	[tilespmem:v2+s7+$0x0] =	vst.idx.add.f32.msk $0xffff, v1  }
0x21: {  	v2 =	vld [tilespmem:s13+$0x30];
	_ =	sdelay $0x2  }
0x22: {  	p0 =	sne.s32 s12, $0x9B00  }
.Ltmp1:
0x23: {  	_ = 	snop;
	(pc) =	sbr.rel @p0 .LBB2_4-.Ltmp1, $2  }
0x24: {  	_ =	sdelay $0x2  }
0x25: {  	s12 =	sadd.s32 $0x100, s12;
	[tilespmem:v2+s7+$0x0] =	vst.idx.add.f32.msk $0xffff, v1  }
0x26: {  	s11 =	sadd.s32 $0x1, s11  }
0x27: {  	p0 =	sne.s32 s11, s5  }
.Ltmp2:
0x28: {  	_ = 	snop;
	(pc) =	sbr.rel @p0 .LBB2_1-.Ltmp2, $4  }
0x29: {  	[hbm4b:s4+s8] =	stream.strided.scatter [tilespmem:s7], [sflag:$0x2], $0x2800, s9, s8, $0x38;
	[tilespmem:$0x4F80] =	vst v63  }
0x2a: {  	_ =	swait.ge [sflag:s10], $0x2800  }
0x2b: {  	[sflag:s10] =	ssyncset.done $0x0  }
0x2c: {  	[sflag:s10] =	ssyncadd.s32 $0xFFFFD800  }
0x2d: {  	_ =	sfence.sel $0x180000  }
0x2e: {  	[bflag:$0x0] =	sbarrier.arrive $0xFFFF  }
0x2f: {  	p0 =	sne.s32 s0, $0x0;
	_ =	strace $0x90000047  }
0x30: {  	s0 =	sadd.s32 @!p0 $0x100000, s1;
	[bflag:$0x2] =	sbarrier.arrive $0xFFFF  }
0x31: {  	[sflag:s0] =	ssyncadd.tile.s32 @!p0 $0x1;
	_ =	shalt  }
.Lfunc_end2:
_tile_overlayer_lowered:
.L_overlay_start_2:
0x32: {  	(tag) =	ssettag $0x2  }
0x33: {  	s0 =	rddreg [dreg:$0x0];
	s2 =	stileid.u32  }
0x34: {  	s1 =	rddreg [dreg:$0x1];
	p0 =	sne.s32 s2, $0x0  }
0x35: {  	s3 =	rddreg [dreg:$0x2];
	[bflag:$0x3] =	sbarrier.arrive $0xFFFF;
	s2 =	simm.s32 @!p0 $0x1C02  }
0x36: {  	[timem:s3], [sflag:s2] =	dma.local @!p0 [hbm:s0], s1  }
0x37: {  	s0 =	simm.s32 @!p0 $0x2  }
0x38: {  	_ =	swait.ge @!p0 [sflag:s0], s1  }
0x39: {  	s1 =	ssub.s32 @!p0 $0x0, s1;
	[sflag:s0] =	ssyncset.done @!p0 $0x0  }
0x3a: {  	[sflag:s0] =	ssyncadd.s32 @!p0 s1  }
0x3b: {  	[bflag:$0x3] =	sbarrier.arrive $0xFFFF  }
0x3c: {  	_ =	shalt  }

// kernel: kernel.13.cloned.1.call-start
scs
__scs_entry_jumppad:
0x0: {  	(pc) =	sbr.rel $0x88, $3  }
0x1: {  	(tag) =	ssettag $0x0;
	lr =	simm.s32 $0x1  }
0x2: {  	[smem:$0x3F97] =	sst lr;
	_ =	strace $0xD0000000  }
0x3: {  	_ = 	snop  }
0x4: {  	_ = 	snop  }
0x5: {  	_ = 	snop  }
0x6: {  	_ = 	snop  }
0x7: {  	_ = 	snop  }
__scs_overlays_trampoline_lowered:
0x8: {  	[smem:$0x3FA6] =	sst s0  }
0x9: {  	[smem:$0x3FA7] =	sst s1  }
0xa: {  	[smem:$0x3FA8] =	sst s2  }
0xb: {  	[smem:$0x3FA9] =	sst s3  }
0xc: {  	[smem:$0x3FAA] =	sst s4  }
0xd: {  	[smem:$0x3FAB] =	sst s5  }
0xe: {  	[smem:$0x3FAC] =	sst s6  }
0xf: {  	[smem:$0x3FAD] =	sst s7  }
0x10: {  	[smem:$0x3FAE] =	sst s8  }
0x11: {  	[smem:$0x3FAF] =	sst s9;
	s0 =	simm.s32 @!p0 $0x0  }
0x12: {  	s1 =	sld [smem:$0x3F95];
	s0 =	simm.s32 @p0 $0x1  }
0x13: {  	[smem:$0x3FB0] =	sst s0;
	s0 =	simm.s32 @!p1 $0x0  }
0x14: {  	s2 =	sld [smem:$0x3F94];
	s0 =	simm.s32 @p1 $0x1  }
0x15: {  	[smem:$0x3FB1] =	sst s0;
	s0 =	simm.s32 @!p2 $0x0  }
0x16: {  	s3 =	sld [smem:$0x3FDB];
	s0 =	simm.s32 @p2 $0x1  }
0x17: {  	s4 =	simm.s32 $0x1BF5;
	[smem:$0x3FB3] =	sst s0  }
0x18: {  	s0 =	sld [smem:$0x3F96];
	_ =	swait.ge [sflag:s4], $0x0  }
0x19: {  	s7 =	sld [smem:$0x3F97]  }
0x1a: {  	s8 =	sadd.s32 $0xFFFFE003, lr  }
0x1b: {  	s9 =	sadd.s32 $0xFFFFFEF7, lr;
	s5 =	simm.s32 $0xFFFFFFFF;
	p2 =	slt.u32 s8, $0xFFFFF086  }
0x1c: {  	p1 =	slt.u32 s9, $0xF7A;
	s5 =	simm.s32 @!p2 $0x0  }
0x1d: {  	s5 =	simm.s32 @p1 $0x1;
	p0 =	seq.s32 s7, s2  }
0x1e: {  	s7 =	smul.u32 @!p0 $0xF7A, s2;
	p2 =	seq.s32 @!p0 s5, $0x0  }
0x1f: {  	s9 =	smul.u32 $0xF7A, s1;
	s8 =	simm.s32 @!p0 $0x1BF5;
	p2 =	por !p2, p0  }
0x20: {  	[sflag:s8] =	ssyncset.s32 @!p0 $0xFFFFF086;
	s6 =	sadd.s32 @!p0 s3, s7;
	s7 =	simm.s32 @!p0 $0x108  }
0x21: {  	s3 =	sadd.s32 s3, s9;
	s6 =	sadd.s32 @!p0 $0x88, s6;
	s7 =	simm.s32 @p2 $0x1082  }
0x22: {  	[simem:s7], [sflag:s8] =	dma.local @!p0 [hbm:s6], $0xF7A  }
0x23: {  	s9 =	sor.u32 $0xD0000000, s2;
	s6 =	simm.s32 $0x108;
	_ =	swait.ge @!p0 [sflag:s8], $0x0  }
0x24: {  	s3 =	sadd.s32 $0x88, s3;
	s6 =	simm.s32 @!p1 $0x1082;
	[sflag:s4] =	ssyncset.s32 $0xFFFFF086  }
0x25: {  	[simem:s6], [sflag:s4] =	dma.local [hbm:s3], $0xF7A  }
0x26: {  	[smem:$0x3F97] =	sst s1;
	(tag) =	ssettag s2;
	_ =	strace s9  }
0x27: {  	s1 =	sld [smem:$0x3FA7]  }
0x28: {  	s2 =	sld [smem:$0x3FA8]  }
0x29: {  	s4 =	sld [smem:$0x3FAA]  }
0x2a: {  	p0 =	seq.s32 s5, $0x0;
	s5 =	sld [smem:$0x3FAB]  }
0x2b: {  	s6 =	sld [smem:$0x3FAC]  }
0x2c: {  	s7 =	sld [smem:$0x3FAD]  }
0x2d: {  	s3 =	simm.s32 $0x108;
	s8 =	sld [smem:$0x3FAE]  }
0x2e: {  	s3 =	simm.s32 @!p0 $0x1082;
	s9 =	sld [smem:$0x3FAF]  }
0x2f: {  	lr =	sadd.s32 s0, s3;
	s0 =	sld [smem:$0x3FA6]  }
0x30: {  	s3 =	sld [smem:$0x3FA9]  }
0x31: {  	[smem:$0x3FB2] =	sst s10  }
0x32: {  	s10 =	sld [smem:$0x3FB0];
	_ =	sdelay $0x3  }
0x33: {  	p0 =	seq.s32 s10, $0x1;
	s10 =	sld [smem:$0x3FB2];
	_ =	sdelay $0x3  }
0x34: {  	[smem:$0x3FB2] =	sst s10  }
0x35: {  	s10 =	sld [smem:$0x3FB1];
	_ =	sdelay $0x3  }
0x36: {  	p1 =	seq.s32 s10, $0x1;
	s10 =	sld [smem:$0x3FB2];
	_ =	sdelay $0x3  }
0x37: {  	[smem:$0x3FB2] =	sst s10  }
0x38: {  	s10 =	sld [smem:$0x3FB3]  }
0x39: {  	_ = 	snop;
	(pc) =	sbr.ind lr, $3  }
0x3a: {  	_ = 	snop  }
0x3b: {  	_ = 	snop  }
0x3c: {  	p2 =	seq.s32 s10, $0x1;
	s10 =	sld [smem:$0x3FB2]  }
0x3d: {  	_ =	shalt  }
0x3e: {  	_ =	shalt  }
0x3f: {  	_ =	shalt  }
0x40: {  	_ =	shalt  }
0x41: {  	_ =	shalt  }
0x42: {  	_ =	shalt  }
0x43: {  	_ =	shalt  }
0x44: {  	_ =	shalt  }
0x45: {  	_ =	shalt  }
0x46: {  	_ =	shalt  }
0x47: {  	_ =	shalt  }
0x48: {  	_ =	shalt  }
0x49: {  	_ =	shalt  }
0x4a: {  	_ =	shalt  }
0x4b: {  	_ =	shalt  }
0x4c: {  	_ =	shalt  }
0x4d: {  	_ =	shalt  }
0x4e: {  	_ =	shalt  }
0x4f: {  	_ =	shalt  }
0x50: {  	_ =	shalt  }
0x51: {  	_ =	shalt  }
0x52: {  	_ =	shalt  }
0x53: {  	_ =	shalt  }
0x54: {  	_ =	shalt  }
0x55: {  	_ =	shalt  }
0x56: {  	_ =	shalt  }
0x57: {  	_ =	shalt  }
0x58: {  	_ =	shalt  }
0x59: {  	_ =	shalt  }
0x5a: {  	_ =	shalt  }
0x5b: {  	_ =	shalt  }
0x5c: {  	_ =	shalt  }
0x5d: {  	_ =	shalt  }
0x5e: {  	_ =	shalt  }
0x5f: {  	_ =	shalt  }
0x60: {  	_ =	shalt  }
0x61: {  	_ =	shalt  }
0x62: {  	_ =	shalt  }
0x63: {  	_ =	shalt  }
0x64: {  	_ =	shalt  }
0x65: {  	_ =	shalt  }
0x66: {  	_ =	shalt  }
0x67: {  	_ =	shalt  }
0x68: {  	_ =	shalt  }
0x69: {  	_ =	shalt  }
0x6a: {  	_ =	shalt  }
0x6b: {  	_ =	shalt  }
0x6c: {  	_ =	shalt  }
0x6d: {  	_ =	shalt  }
0x6e: {  	_ =	shalt  }
0x6f: {  	_ =	shalt  }
0x70: {  	_ =	shalt  }
0x71: {  	_ =	shalt  }
0x72: {  	_ =	shalt  }
0x73: {  	_ =	shalt  }
0x74: {  	_ =	shalt  }
0x75: {  	_ =	shalt  }
0x76: {  	_ =	shalt  }
0x77: {  	_ =	shalt  }
0x78: {  	_ =	shalt  }
0x79: {  	_ =	shalt  }
0x7a: {  	_ =	shalt  }
0x7b: {  	_ =	shalt  }
0x7c: {  	_ =	shalt  }
0x7d: {  	_ =	shalt  }
0x7e: {  	_ =	shalt  }
0x7f: {  	_ =	shalt  }
0x80: {  	_ =	shalt  }
0x81: {  	_ =	shalt  }
0x82: {  	_ =	shalt  }
0x83: {  	_ =	shalt  }
0x84: {  	_ =	shalt  }
0x85: {  	_ =	shalt  }
0x86: {  	_ =	shalt  }
0x87: {  	_ =	shalt  }
.Lfunc_end0:
.L_simem_size_0:
called_computation.1_lowered:
.L_overlay_start_0:
0x88: {  	s2 =	sld [smem:$0x3FD9]  }
0x89: {  	s3 =	sld [smem:$0x3FFE];
	_ =	sdelay $0x1  }
0x8a: {  	s1 =	srdreg.scid  }
0x8b: {  	s0 =	sand.u32 $0x1, s1  }
0x8c: {  	s14 =	sshll.u32 s0, $0xA;
	s2 =	sadd.s32 s3, s2  }
0x8d: {  	s2 =	sadd.s32 s2, s14  }
0x8e: {  	[smem:$0x3FBE] =	sst s2  }
0x8f: {  	_ = 	snop  }
0x90: {  	s2 =	sld [smem:$0x3FD0];
	_ =	sdelay $0x2  }
0x91: {  	s15 =	simm.s32 $0xA;
	s4 =	simm.s32 $0x10  }
0x92: {  	[smem:s4], [sflag:s15] =	dma.local [hbm:s2], $0x1  }
0x93: {  	_ =	swait.eq [sflag:s15], $0x1  }
0x94: {  	[sflag:s15] =	ssyncset.done $0x0  }
0x95: {  	[sflag:s15] =	ssyncadd.s32 $0xFFFFFFFF  }
0x96: {  	s16 =	sld [smem:$0x10];
	(tm) =	ssettm $0x1  }
0x97: {  	s17 =	sld [smem:$0x3FFB];
	_ =	sdelay $0x3  }
0x98: {  	_ =	strace s17  }
0x99: {  	s3 =	sld [smem:$0x3FFC];
	_ =	sdelay $0x3  }
0x9a: {  	_ =	strace s3  }
0x9b: {  	s3 =	sld [smem:$0x3FFD];
	_ =	sdelay $0x3  }
0x9c: {  	_ =	strace s3  }
0x9d: {  	_ =	strace $0x8FFFFFFF  }
0x9e: {  	s18 =	sld [smem:$0x3FDB];
	_ =	sdelay $0x1  }
0x9f: {  	s19 =	simm.s32 $_scs_section_size  }
0xa0: {  	s5 =	simm.s32 $_size__tile_overlayer_lowered;
	s6 =	simm.s32 $_tile_overlayer_lowered  }
0xa1: {  	s22 =	simm.s32 $0x1BFF;
	s21 =	sshll.u32 s6, $0x1;
	s3 =	sadd.s32 s19, s18  }
0xa2: {  	s7 =	simm.s32 $0x0;
	s20 =	sshll.u32 s5, $0x1;
	s5 =	sadd.s32 s21, s3  }
0xa3: {  	[timem:s7], [sflag:s22] =	dma.local [hbm:s5], s20  }
0xa4: {  	_ =	swait.ge [sflag:s22], s20  }
0xa5: {  	s4 =	ssub.s32 $0x0, s20;
	[sflag:s22] =	ssyncset.done $0x0  }
0xa6: {  	[sflag:s22] =	ssyncadd.s32 s4;
	_ =	sdelay $0x1  }
0xa7: {  	s23 =	simm.s32 $0x1B8B  }
0xa8: {  	_ =	swait.ge [sflag:s23], $0x1  }
0xa9: {  	[sflag:s23] =	ssyncset.done $0x0  }
0xaa: {  	s25 =	simm.s32 $0x1B8E;
	s24 =	sld [smem:$0x3FFE];
	[sflag:s23] =	ssyncadd.s32 $0xFFFFFFFF  }
0xab: {  	s26 =	simm.s32 $execute0_lowered;
	[smem:$0x3FD2] =	sst s25  }
0xac: {  	s5 =	sshll.u32 s26, $0x1;
	_ =	strace $0x80000049;
	[dreg:$0x1] =	wrdreg $0xFFFFFFFF  }
0xad: {  	s28 =	simm.s32 $_size_execute0_lowered;
	s3 =	sadd.s32 s3, s5;
	[dreg:$0x0] =	wrdreg $0x0  }
0xae: {  	s5 =	sshll.u32 s28, $0x1;
	[dreg:$0x2] =	wrdreg s3  }
0xaf: {  	[dreg:$0x3] =	wrdreg s5  }
0xb0: {  	[dreg:$0x4] =	wrdreg $0xC0  }
0xb1: {  	_ =	task [dreg:s7], $0x5FFFF  }
0xb2: {  	[dreg:$0x1] =	wrdreg $0xFFFFFFFF  }
0xb3: {  	[dreg:$0x0] =	wrdreg $0x60  }
0xb4: {  	[dreg:$0x2] =	wrdreg s16  }
0xb5: {  	[dreg:$0x3] =	wrdreg s24  }
0xb6: {  	[dreg:$0x4] =	wrdreg $0x9  }
0xb7: {  	_ =	task.clear_ibuf [dreg:s7], $0x5FFFF;
	_ =	strace $0x90000049  }
0xb8: {  	s29 =	simm.s32 $0x9;
	_ =	strace $0x8000004B  }
0xb9: {  	_ =	swait.ge [sflag:s29], $0x1  }
0xba: {  	[sflag:s29] =	ssyncadd.s32 $0xFFFFFFFF  }
0xbb: {  	_ =	strace $0x9000004B  }
0xbc: {  	_ =	sfence  }
0xbd: {  	s30 =	sld [smem:$0x0];
	_ =	sdelay $0x2  }
0xbe: {  	s31 =	sshll.u32 s1, $0xD;
	s1 =	sshrl.u32 s1, $0x2  }
0xbf: {  	s3 =	sand.u32 $0x4000, s31;
	s1 =	sadd.s32 s1, s30  }
0xc0: {  	s0 =	sor.u32 s3, s0;
	s1 =	sshll.u32 s1, $0x11  }
0xc1: {  	s0 =	sor.u32 s1, s0  }
0xc2: {  	s0 =	sadd.s32 $0x8F2B, s0  }
0xc3: {  	[sflag:s0] =	ssyncadd.remote.s32 $0x1  }
0xc4: {  	_ =	sfence.sel $0xFFFF  }
0xc5: {  	[dreg:$0x0] =	wrdreg $0xFFFFFFFF;
	(pc) =	sbr.abs _section_cstart, $3  }
0xc6: {  	[dreg:$0x1] =	wrdreg $0xFFFFFFFF  }
0xc7: {  	_ =	task.clear_ibuf [dreg:s7], $0x2FFFF;
	_ =	strace $0x9FFFFFFF  }
0xc8: {  	(tm) =	ssettm $0x7FFFFFFF  }
0xc9: {  	_ =	shalt  }
tec
execute0_lowered:
.L_overlay_start_1:
0x0: {  	(tag) =	ssettag $0x1  }
0x1: {  	s2 =	rddreg [dreg:$0x0];
	s1 =	srdreg.scid  }
0x2: {  	s0 =	stileid.u32;
	s4 =	rddreg [dreg:$0x1];
	s9 =	simm.s32 $0x2780  }
0x3: {  	s10 =	simm.s32 $0x1;
	s11 =	simm.s32 $0x2;
	s12 =	simm.s32 $0x3  }
0x4: {  	s13 =	simm.s32 $0xEF00;
	s14 =	simm.s32 $0x80;
	s15 =	simm.s32 $0x400  }
0x5: {  	s16 =	simm.s32 $0x4;
	s17 =	simm.s32 $0x0;
	s5 =	sand.u32 $0x1, s1  }
0x6: {  	s3 =	sshll.u32 s0, $0x1;
	s1 =	rddreg [dreg:$0x2];
	s7 =	sshrl.u32 s0, $0x2  }
0x7: {  	s6 =	sor.u32 s5, s3;
	s3 =	simm.s32 $0x0;
	s7 =	smul.u32 $0x50000, s7  }
0x8: {  	s5 =	ssub.s32 $0x2, s5;
	s8 =	sshll.u32 s6, $0x7;
	s6 =	smul.u32 $0x2710, s6  }
0x9: {  	[smem:$0x7FF] =	sst s3;
	s30 =	sshrl.u32 s5, $0x1;
	s8 =	sand.u32 $0x380, s8  }
0xa: {  	_ =	strace $0x8000004A;
	s7 =	sor.u32 s7, s8;
	s6 =	sshrl.u32 s6, $0x3  }
0xb: {  	s31 =	ssub.s32 s5, s30;
	s7 =	sshrl.u32 s7, $0x3;
	s6 =	sadd.s32 s6, s4  }
0xc: {  	s8 =	simm.s32 $0x4F00;
	s7 =	sadd.s32 s7, s4;
	s4 =	sadd.s32 $0x2E00, s6  }
0xd: {  	v0 =	vimm.f32 $0.0e+00;
	s5 =	sadd.s32 $0xCA40, s6;
	s6 =	sadd.s32 $0x16800, s7;
	s7 =	smax.u32 s31, $0x1  }
.LBB2_1:
0xe: {  	[tilespmem:s8], [sflag:$0x1] =	stream.linear.gather [hbm4b:s2+s3], $0xA000, $0x38;
	[tilespmem:$0x18F00] =	vst v63  }
0xf: {  	_ = 	snop  }
0x10: {  	[tilespmem:s3], [sflag:$0x2] =	stream.linear.gather [hbm4b:s4+s3], $0x2710, $0x38;
	[tilespmem:$0x18F00] =	vst v63  }
0x11: {  	s19 =	simm.s32 $0x100;
	s18 =	simm.s32 $0x0  }
0x12: {  	[tilespmem:s9], [sflag:$0x3] =	stream.linear.gather [hbm4b:s5+s3], $0x2710, $0x38;
	[tilespmem:$0x18F00] =	vst v63  }
.LBB2_2:
0x13: {  	p0 =	sne.s32 s19, $0x27F00;
	[tilespmem:s18+$0xEF30] =	vst v0;
	s20 =	smov.u32 s19;
	s19 =	sadd.s32 $0x100, s19  }
.Ltmp0:
0x14: {  	[tilespmem:s18+$0xEF20] =	vst v0;
	(pc) =	sbr.rel @p0 .LBB2_2-.Ltmp0, $3  }
0x15: {  	[tilespmem:s18+$0xEF00] =	vst v0  }
0x16: {  	[tilespmem:s18+$0xEF10] =	vst v0;
	_ =	sdelay $0x1  }
0x17: {  	s18 =	sshra.s32 s20, $0x2  }
0x18: {  	[tilespmem:s18+$0xEF30] =	vst v0  }
0x19: {  	[tilespmem:s18+$0xEF20] =	vst v0  }
0x1a: {  	[tilespmem:s18+$0xEF00] =	vst v0  }
0x1b: {  	[tilespmem:s18+$0xEF10] =	vst v0  }
0x1c: {  	_ =	swait.ge [sflag:s10], $0xA000  }
0x1d: {  	[sflag:s10] =	ssyncset.done $0x0  }
0x1e: {  	[sflag:s10] =	ssyncadd.s32 $0xFFFF6000  }
0x1f: {  	_ =	swait.ge [sflag:s11], $0x2710  }
0x20: {  	[sflag:s11] =	ssyncset.done $0x0  }
0x21: {  	[sflag:s11] =	ssyncadd.s32 $0xFFFFD8F0  }
0x22: {  	_ =	swait.ge [sflag:s12], $0x2710  }
0x23: {  	[sflag:s12] =	ssyncset.done $0x0  }
0x24: {  	s20 =	simm.s32 $0x0;
	[sflag:s12] =	ssyncadd.s32 $0xFFFFD8F0  }
0x25: {  	v1 =	vld [tilespmem:s20+$0x0]  }
0x26: {  	s19 =	simm.s32 $0x20;
	s21 =	simm.s32 $0x180;
	s18 =	simm.s32 $0x40;
	v2 =	vld [tilespmem:s20+$0x10]  }
.LBB2_4:
0x27: {  	p0 =	sne.s32 s21, $0x9B80;
	s22 =	smov.u32 s21;
	s21 =	sadd.s32 $0x80, s21  }
0x28: {  	s22 =	sshra.s32 s22, $0x2;
	_ =	sdelay $0x1  }
0x29: {  	v3 =	vadd.s32 $0x2800, v1;
	v4 =	vadd.s32 $0x7800, v1  }
0x2a: {  	v5 =	vld [tilespmem:s20+$0x2790];
	v6 =	vadd.s32 $0x2800, v2;
	v7 =	vadd.s32 $0x5000, v2  }
0x2b: {  	v9 =	vadd.s32 $0x5000, v1;
	v10 =	vadd.s32 $0x7800, v2;
	v8 =	vld [tilespmem:s20+$0x2780];
	s20 =	smov.u32 s19;
	s19 =	smov.u32 s18;
	s18 =	smov.u32 s22  }
0x2c: {  	v1 =	vld.idx.msk [tilespmem:v1+s8+$0x0], $0xffff  }
0x2d: {  	v2 =	vld.idx.msk [tilespmem:v2+s8+$0x0], $0xffff  }
0x2e: {  	v3 =	vld.idx.msk [tilespmem:v3+s8+$0x0], $0xffff  }
0x2f: {  	v4 =	vld.idx.msk [tilespmem:v4+s8+$0x0], $0xffff  }
0x30: {  	v9 =	vld.idx.msk [tilespmem:v9+s8+$0x0], $0xffff;
	v11 =	vadd.s32 $0x2800, v8  }
0x31: {  	v12 =	vadd.s32 $0x5000, v8;
	v6 =	vld.idx.msk [tilespmem:v6+s8+$0x0], $0xffff  }
0x32: {  	v13 =	vadd.s32 $0x7800, v8;
	v10 =	vld.idx.msk [tilespmem:v10+s8+$0x0], $0xffff  }
0x33: {  	v7 =	vld.idx.msk [tilespmem:v7+s8+$0x0], $0xffff  }
0x34: {  	[tilespmem:v8+s13+$0x0] =	vst.idx.add.f32.msk $0xffff, v1;
	v1 =	vadd.s32 $0x2800, v5  }
0x35: {  	[tilespmem:v11+s13+$0x0] =	vst.idx.add.f32.msk $0xffff, v3;
	v3 =	vadd.s32 $0x5000, v5  }
0x36: {  	v8 =	vadd.s32 $0x7800, v5;
	[tilespmem:v12+s13+$0x0] =	vst.idx.add.f32.msk $0xffff, v9  }
0x37: {  	[tilespmem:v13+s13+$0x0] =	vst.idx.add.f32.msk $0xffff, v4  }
0x38: {  	[tilespmem:v5+s13+$0x0] =	vst.idx.add.f32.msk $0xffff, v2  }
.Ltmp1:
0x39: {  	[tilespmem:v1+s13+$0x0] =	vst.idx.add.f32.msk $0xffff, v6;
	(pc) =	sbr.rel @p0 .LBB2_4-.Ltmp1, $4  }
0x3a: {  	[tilespmem:v3+s13+$0x0] =	vst.idx.add.f32.msk $0xffff, v7  }
0x3b: {  	[tilespmem:v8+s13+$0x0] =	vst.idx.add.f32.msk $0xffff, v10  }
0x3c: {  	v1 =	vld [tilespmem:s20+$0x0]  }
0x3d: {  	v2 =	vld [tilespmem:s20+$0x10]  }
0x3e: {  	_ =	sdelay $0x3  }
0x3f: {  	v3 =	vadd.s32 $0x2800, v1  }
0x40: {  	v5 =	vld [tilespmem:s20+$0x2790];
	v4 =	vadd.s32 $0x7800, v1  }
0x41: {  	v6 =	vld [tilespmem:s20+$0x2780];
	v7 =	vadd.s32 $0x5000, v1  }
0x42: {  	v1 =	vld.idx.msk [tilespmem:v1+s8+$0x0], $0xffff;
	v8 =	vadd.s32 $0x2800, v2  }
0x43: {  	v9 =	vadd.s32 $0x7800, v2;
	v10 =	vld.idx.msk [tilespmem:v2+s8+$0x0], $0xffff  }
0x44: {  	v2 =	vadd.s32 $0x5000, v2;
	v3 =	vld.idx.msk [tilespmem:v3+s8+$0x0], $0xffff  }
0x45: {  	v4 =	vld.idx.msk [tilespmem:v4+s8+$0x0], $0xffff  }
0x46: {  	v11 =	vadd.s32 $0x2800, v6;
	v7 =	vld.idx.msk [tilespmem:v7+s8+$0x0], $0xffff  }
0x47: {  	v12 =	vadd.s32 $0x5000, v6;
	v8 =	vld.idx.msk [tilespmem:v8+s8+$0x0], $0xffff  }
0x48: {  	v13 =	vadd.s32 $0x7800, v6;
	v9 =	vld.idx.msk [tilespmem:v9+s8+$0x0], $0xffff  }
0x49: {  	v2 =	vld.idx.msk [tilespmem:v2+s8+$0x0], $0xffff  }
0x4a: {  	[tilespmem:v6+s13+$0x0] =	vst.idx.add.f32.msk $0xffff, v1;
	v1 =	vadd.s32 $0x2800, v5  }
0x4b: {  	[tilespmem:v11+s13+$0x0] =	vst.idx.add.f32.msk $0xffff, v3;
	v3 =	vadd.s32 $0x5000, v5  }
0x4c: {  	v47 =	vadd.s32 $0x7800, v5;
	[tilespmem:v12+s13+$0x0] =	vst.idx.add.f32.msk $0xffff, v7  }
0x4d: {  	[tilespmem:v13+s13+$0x0] =	vst.idx.add.f32.msk $0xffff, v4  }
0x4e: {  	[tilespmem:v5+s13+$0x0] =	vst.idx.add.f32.msk $0xffff, v10  }
0x4f: {  	[tilespmem:v1+s13+$0x0] =	vst.idx.add.f32.msk $0xffff, v8  }
0x50: {  	[tilespmem:v3+s13+$0x0] =	vst.idx.add.f32.msk $0xffff, v2  }
0x51: {  	[tilespmem:v47+s13+$0x0] =	vst.idx.add.f32.msk $0xffff, v9  }
0x52: {  	v1 =	vld [tilespmem:s19+$0x0]  }
0x53: {  	v2 =	vld [tilespmem:s19+$0x10];
	_ =	sdelay $0x3  }
0x54: {  	v3 =	vadd.s32 $0x2800, v1  }
0x55: {  	v5 =	vld [tilespmem:s19+$0x2790];
	v48 =	vadd.s32 $0x7800, v1  }
0x56: {  	v6 =	vld [tilespmem:s19+$0x2780];
	v49 =	vadd.s32 $0x5000, v1  }
0x57: {  	v50 =	vadd.s32 $0x2800, v2;
	v1 =	vld.idx.msk [tilespmem:v1+s8+$0x0], $0xffff  }
0x58: {  	v51 =	vadd.s32 $0x7800, v2;
	v10 =	vld.idx.msk [tilespmem:v2+s8+$0x0], $0xffff  }
0x59: {  	v2 =	vadd.s32 $0x5000, v2;
	v3 =	vld.idx.msk [tilespmem:v3+s8+$0x0], $0xffff  }
0x5a: {  	v4 =	vld.idx.msk [tilespmem:v48+s8+$0x0], $0xffff  }
0x5b: {  	v52 =	vadd.s32 $0x2800, v6;
	v7 =	vld.idx.msk [tilespmem:v49+s8+$0x0], $0xffff  }
0x5c: {  	v53 =	vadd.s32 $0x5000, v6;
	v8 =	vld.idx.msk [tilespmem:v50+s8+$0x0], $0xffff  }
0x5d: {  	v54 =	vadd.s32 $0x7800, v6;
	v9 =	vld.idx.msk [tilespmem:v51+s8+$0x0], $0xffff  }
0x5e: {  	v2 =	vld.idx.msk [tilespmem:v2+s8+$0x0], $0xffff  }
0x5f: {  	[tilespmem:v6+s13+$0x0] =	vst.idx.add.f32.msk $0xffff, v1;
	v1 =	vadd.s32 $0x2800, v5  }
0x60: {  	[tilespmem:v52+s13+$0x0] =	vst.idx.add.f32.msk $0xffff, v3;
	v3 =	vadd.s32 $0x5000, v5  }
0x61: {  	v55 =	vadd.s32 $0x7800, v5;
	[tilespmem:v53+s13+$0x0] =	vst.idx.add.f32.msk $0xffff, v7  }
0x62: {  	[tilespmem:v54+s13+$0x0] =	vst.idx.add.f32.msk $0xffff, v4  }
0x63: {  	[tilespmem:v5+s13+$0x0] =	vst.idx.add.f32.msk $0xffff, v10  }
0x64: {  	[tilespmem:v1+s13+$0x0] =	vst.idx.add.f32.msk $0xffff, v8  }
0x65: {  	[tilespmem:v3+s13+$0x0] =	vst.idx.add.f32.msk $0xffff, v2  }
0x66: {  	[tilespmem:v55+s13+$0x0] =	vst.idx.add.f32.msk $0xffff, v9  }
0x67: {  	v1 =	vld [tilespmem:s18+$0x0]  }
0x68: {  	v2 =	vld [tilespmem:s18+$0x10];
	_ =	sdelay $0x3  }
0x69: {  	v3 =	vadd.s32 $0x2800, v1  }
0x6a: {  	v5 =	vld [tilespmem:s18+$0x2790];
	v56 =	vadd.s32 $0x7800, v1  }
0x6b: {  	v6 =	vld [tilespmem:s18+$0x2780];
	v57 =	vadd.s32 $0x5000, v1  }
0x6c: {  	v58 =	vadd.s32 $0x2800, v2;
	v1 =	vld.idx.msk [tilespmem:v1+s8+$0x0], $0xffff  }
0x6d: {  	v59 =	vadd.s32 $0x7800, v2;
	v10 =	vld.idx.msk [tilespmem:v2+s8+$0x0], $0xffff  }
0x6e: {  	v2 =	vadd.s32 $0x5000, v2;
	v3 =	vld.idx.msk [tilespmem:v3+s8+$0x0], $0xffff  }
0x6f: {  	v4 =	vld.idx.msk [tilespmem:v56+s8+$0x0], $0xffff  }
0x70: {  	v60 =	vadd.s32 $0x2800, v6;
	v7 =	vld.idx.msk [tilespmem:v57+s8+$0x0], $0xffff  }
0x71: {  	v61 =	vadd.s32 $0x5000, v6;
	v8 =	vld.idx.msk [tilespmem:v58+s8+$0x0], $0xffff  }
0x72: {  	v62 =	vadd.s32 $0x7800, v6;
	v9 =	vld.idx.msk [tilespmem:v59+s8+$0x0], $0xffff  }
0x73: {  	v2 =	vld.idx.msk [tilespmem:v2+s8+$0x0], $0xffff  }
0x74: {  	[tilespmem:v6+s13+$0x0] =	vst.idx.add.f32.msk $0xffff, v1;
	v1 =	vadd.s32 $0x2800, v5  }
0x75: {  	[tilespmem:v60+s13+$0x0] =	vst.idx.add.f32.msk $0xffff, v3;
	v3 =	vadd.s32 $0x5000, v5  }
0x76: {  	v63 =	vadd.s32 $0x7800, v5;
	[tilespmem:v61+s13+$0x0] =	vst.idx.add.f32.msk $0xffff, v7  }
0x77: {  	[tilespmem:v62+s13+$0x0] =	vst.idx.add.f32.msk $0xffff, v4  }
0x78: {  	[tilespmem:v5+s13+$0x0] =	vst.idx.add.f32.msk $0xffff, v10  }
0x79: {  	s17 =	sadd.s32 $0x1, s17;
	[tilespmem:v1+s13+$0x0] =	vst.idx.add.f32.msk $0xffff, v8  }
0x7a: {  	p0 =	sne.s32 s17, s7;
	[tilespmem:v3+s13+$0x0] =	vst.idx.add.f32.msk $0xffff, v2  }
.Ltmp2:
0x7b: {  	[tilespmem:v63+s13+$0x0] =	vst.idx.add.f32.msk $0xffff, v9;
	(pc) =	sbr.rel @p0 .LBB2_1-.Ltmp2, $4  }
0x7c: {  	[hbm4b:s6+s14] =	stream.strided.scatter [tilespmem:s13], [sflag:$0x4], $0xA000, s15, s14, $0x38;
	[tilespmem:$0x18F00] =	vst v63  }
0x7d: {  	_ =	swait.ge [sflag:s16], $0xA000  }
0x7e: {  	[sflag:s16] =	ssyncset.done $0x0  }
0x7f: {  	[sflag:s16] =	ssyncadd.s32 $0xFFFF6000  }
0x80: {  	_ =	sfence.sel $0x180000  }
0x81: {  	[bflag:$0x0] =	sbarrier.arrive $0xFFFF  }
0x82: {  	p0 =	sne.s32 s0, $0x0;
	_ =	strace $0x9000004A  }
0x83: {  	s0 =	sadd.s32 @!p0 $0x100000, s1;
	[bflag:$0x2] =	sbarrier.arrive $0xFFFF  }
0x84: {  	[sflag:s0] =	ssyncadd.tile.s32 @!p0 $0x1;
	_ =	shalt  }
.Lfunc_end2:
_tile_overlayer_lowered:
.L_overlay_start_2:
0x85: {  	(tag) =	ssettag $0x2  }
0x86: {  	s0 =	rddreg [dreg:$0x0];
	s2 =	stileid.u32  }
0x87: {  	s1 =	rddreg [dreg:$0x1];
	p0 =	sne.s32 s2, $0x0  }
0x88: {  	s3 =	rddreg [dreg:$0x2];
	[bflag:$0x3] =	sbarrier.arrive $0xFFFF;
	s2 =	simm.s32 @!p0 $0x1C04  }
0x89: {  	[timem:s3], [sflag:s2] =	dma.local @!p0 [hbm:s0], s1  }
0x8a: {  	s0 =	simm.s32 @!p0 $0x4  }
0x8b: {  	_ =	swait.ge @!p0 [sflag:s0], s1  }
0x8c: {  	s1 =	ssub.s32 @!p0 $0x0, s1;
	[sflag:s0] =	ssyncset.done @!p0 $0x0  }
0x8d: {  	[sflag:s0] =	ssyncadd.s32 @!p0 s1  }
0x8e: {  	[bflag:$0x3] =	sbarrier.arrive $0xFFFF  }
0x8f: {  	_ =	shalt  }

// kernel: kernel.16.cloned.1.call-start
scs
__scs_entry_jumppad:
0x0: {  	(pc) =	sbr.rel $0x88, $3  }
0x1: {  	(tag) =	ssettag $0x0;
	lr =	simm.s32 $0x1  }
0x2: {  	[smem:$0x3F97] =	sst lr;
	_ =	strace $0xD0000000  }
0x3: {  	_ = 	snop  }
0x4: {  	_ = 	snop  }
0x5: {  	_ = 	snop  }
0x6: {  	_ = 	snop  }
0x7: {  	_ = 	snop  }
__scs_overlays_trampoline_lowered:
0x8: {  	[smem:$0x3FA6] =	sst s0  }
0x9: {  	[smem:$0x3FA7] =	sst s1  }
0xa: {  	[smem:$0x3FA8] =	sst s2  }
0xb: {  	[smem:$0x3FA9] =	sst s3  }
0xc: {  	[smem:$0x3FAA] =	sst s4  }
0xd: {  	[smem:$0x3FAB] =	sst s5  }
0xe: {  	[smem:$0x3FAC] =	sst s6  }
0xf: {  	[smem:$0x3FAD] =	sst s7  }
0x10: {  	[smem:$0x3FAE] =	sst s8  }
0x11: {  	[smem:$0x3FAF] =	sst s9;
	s0 =	simm.s32 @!p0 $0x0  }
0x12: {  	s1 =	sld [smem:$0x3F95];
	s0 =	simm.s32 @p0 $0x1  }
0x13: {  	[smem:$0x3FB0] =	sst s0;
	s0 =	simm.s32 @!p1 $0x0  }
0x14: {  	s2 =	sld [smem:$0x3F94];
	s0 =	simm.s32 @p1 $0x1  }
0x15: {  	[smem:$0x3FB1] =	sst s0;
	s0 =	simm.s32 @!p2 $0x0  }
0x16: {  	s3 =	sld [smem:$0x3FDB];
	s0 =	simm.s32 @p2 $0x1  }
0x17: {  	s4 =	simm.s32 $0x1BF5;
	[smem:$0x3FB3] =	sst s0  }
0x18: {  	s0 =	sld [smem:$0x3F96];
	_ =	swait.ge [sflag:s4], $0x0  }
0x19: {  	s7 =	sld [smem:$0x3F97]  }
0x1a: {  	s8 =	sadd.s32 $0xFFFFE003, lr  }
0x1b: {  	s9 =	sadd.s32 $0xFFFFFEF7, lr;
	s5 =	simm.s32 $0xFFFFFFFF;
	p2 =	slt.u32 s8, $0xFFFFF086  }
0x1c: {  	p1 =	slt.u32 s9, $0xF7A;
	s5 =	simm.s32 @!p2 $0x0  }
0x1d: {  	s5 =	simm.s32 @p1 $0x1;
	p0 =	seq.s32 s7, s2  }
0x1e: {  	s7 =	smul.u32 @!p0 $0xF7A, s2;
	p2 =	seq.s32 @!p0 s5, $0x0  }
0x1f: {  	s9 =	smul.u32 $0xF7A, s1;
	s8 =	simm.s32 @!p0 $0x1BF5;
	p2 =	por !p2, p0  }
0x20: {  	[sflag:s8] =	ssyncset.s32 @!p0 $0xFFFFF086;
	s6 =	sadd.s32 @!p0 s3, s7;
	s7 =	simm.s32 @!p0 $0x108  }
0x21: {  	s3 =	sadd.s32 s3, s9;
	s6 =	sadd.s32 @!p0 $0x88, s6;
	s7 =	simm.s32 @p2 $0x1082  }
0x22: {  	[simem:s7], [sflag:s8] =	dma.local @!p0 [hbm:s6], $0xF7A  }
0x23: {  	s9 =	sor.u32 $0xD0000000, s2;
	s6 =	simm.s32 $0x108;
	_ =	swait.ge @!p0 [sflag:s8], $0x0  }
0x24: {  	s3 =	sadd.s32 $0x88, s3;
	s6 =	simm.s32 @!p1 $0x1082;
	[sflag:s4] =	ssyncset.s32 $0xFFFFF086  }
0x25: {  	[simem:s6], [sflag:s4] =	dma.local [hbm:s3], $0xF7A  }
0x26: {  	[smem:$0x3F97] =	sst s1;
	(tag) =	ssettag s2;
	_ =	strace s9  }
0x27: {  	s1 =	sld [smem:$0x3FA7]  }
0x28: {  	s2 =	sld [smem:$0x3FA8]  }
0x29: {  	s4 =	sld [smem:$0x3FAA]  }
0x2a: {  	p0 =	seq.s32 s5, $0x0;
	s5 =	sld [smem:$0x3FAB]  }
0x2b: {  	s6 =	sld [smem:$0x3FAC]  }
0x2c: {  	s7 =	sld [smem:$0x3FAD]  }
0x2d: {  	s3 =	simm.s32 $0x108;
	s8 =	sld [smem:$0x3FAE]  }
0x2e: {  	s3 =	simm.s32 @!p0 $0x1082;
	s9 =	sld [smem:$0x3FAF]  }
0x2f: {  	lr =	sadd.s32 s0, s3;
	s0 =	sld [smem:$0x3FA6]  }
0x30: {  	s3 =	sld [smem:$0x3FA9]  }
0x31: {  	[smem:$0x3FB2] =	sst s10  }
0x32: {  	s10 =	sld [smem:$0x3FB0];
	_ =	sdelay $0x3  }
0x33: {  	p0 =	seq.s32 s10, $0x1;
	s10 =	sld [smem:$0x3FB2];
	_ =	sdelay $0x3  }
0x34: {  	[smem:$0x3FB2] =	sst s10  }
0x35: {  	s10 =	sld [smem:$0x3FB1];
	_ =	sdelay $0x3  }
0x36: {  	p1 =	seq.s32 s10, $0x1;
	s10 =	sld [smem:$0x3FB2];
	_ =	sdelay $0x3  }
0x37: {  	[smem:$0x3FB2] =	sst s10  }
0x38: {  	s10 =	sld [smem:$0x3FB3]  }
0x39: {  	_ = 	snop;
	(pc) =	sbr.ind lr, $3  }
0x3a: {  	_ = 	snop  }
0x3b: {  	_ = 	snop  }
0x3c: {  	p2 =	seq.s32 s10, $0x1;
	s10 =	sld [smem:$0x3FB2]  }
0x3d: {  	_ =	shalt  }
0x3e: {  	_ =	shalt  }
0x3f: {  	_ =	shalt  }
0x40: {  	_ =	shalt  }
0x41: {  	_ =	shalt  }
0x42: {  	_ =	shalt  }
0x43: {  	_ =	shalt  }
0x44: {  	_ =	shalt  }
0x45: {  	_ =	shalt  }
0x46: {  	_ =	shalt  }
0x47: {  	_ =	shalt  }
0x48: {  	_ =	shalt  }
0x49: {  	_ =	shalt  }
0x4a: {  	_ =	shalt  }
0x4b: {  	_ =	shalt  }
0x4c: {  	_ =	shalt  }
0x4d: {  	_ =	shalt  }
0x4e: {  	_ =	shalt  }
0x4f: {  	_ =	shalt  }
0x50: {  	_ =	shalt  }
0x51: {  	_ =	shalt  }
0x52: {  	_ =	shalt  }
0x53: {  	_ =	shalt  }
0x54: {  	_ =	shalt  }
0x55: {  	_ =	shalt  }
0x56: {  	_ =	shalt  }
0x57: {  	_ =	shalt  }
0x58: {  	_ =	shalt  }
0x59: {  	_ =	shalt  }
0x5a: {  	_ =	shalt  }
0x5b: {  	_ =	shalt  }
0x5c: {  	_ =	shalt  }
0x5d: {  	_ =	shalt  }
0x5e: {  	_ =	shalt  }
0x5f: {  	_ =	shalt  }
0x60: {  	_ =	shalt  }
0x61: {  	_ =	shalt  }
0x62: {  	_ =	shalt  }
0x63: {  	_ =	shalt  }
0x64: {  	_ =	shalt  }
0x65: {  	_ =	shalt  }
0x66: {  	_ =	shalt  }
0x67: {  	_ =	shalt  }
0x68: {  	_ =	shalt  }
0x69: {  	_ =	shalt  }
0x6a: {  	_ =	shalt  }
0x6b: {  	_ =	shalt  }
0x6c: {  	_ =	shalt  }
0x6d: {  	_ =	shalt  }
0x6e: {  	_ =	shalt  }
0x6f: {  	_ =	shalt  }
0x70: {  	_ =	shalt  }
0x71: {  	_ =	shalt  }
0x72: {  	_ =	shalt  }
0x73: {  	_ =	shalt  }
0x74: {  	_ =	shalt  }
0x75: {  	_ =	shalt  }
0x76: {  	_ =	shalt  }
0x77: {  	_ =	shalt  }
0x78: {  	_ =	shalt  }
0x79: {  	_ =	shalt  }
0x7a: {  	_ =	shalt  }
0x7b: {  	_ =	shalt  }
0x7c: {  	_ =	shalt  }
0x7d: {  	_ =	shalt  }
0x7e: {  	_ =	shalt  }
0x7f: {  	_ =	shalt  }
0x80: {  	_ =	shalt  }
0x81: {  	_ =	shalt  }
0x82: {  	_ =	shalt  }
0x83: {  	_ =	shalt  }
0x84: {  	_ =	shalt  }
0x85: {  	_ =	shalt  }
0x86: {  	_ =	shalt  }
0x87: {  	_ =	shalt  }
.Lfunc_end0:
.L_simem_size_0:
called_computation.2_lowered:
.L_overlay_start_0:
0x88: {  	s2 =	sld [smem:$0x3FD9]  }
0x89: {  	s3 =	sld [smem:$0x3FFE];
	_ =	sdelay $0x1  }
0x8a: {  	s1 =	srdreg.scid  }
0x8b: {  	s0 =	sand.u32 $0x1, s1  }
0x8c: {  	s14 =	sshll.u32 s0, $0xA;
	s2 =	sadd.s32 s3, s2  }
0x8d: {  	s2 =	sadd.s32 s2, s14  }
0x8e: {  	[smem:$0x3FBE] =	sst s2  }
0x8f: {  	_ = 	snop  }
0x90: {  	s2 =	sld [smem:$0x3FD0];
	_ =	sdelay $0x2  }
0x91: {  	s15 =	simm.s32 $0xA;
	s4 =	simm.s32 $0x10  }
0x92: {  	[smem:s4], [sflag:s15] =	dma.local [hbm:s2], $0x1  }
0x93: {  	_ =	swait.eq [sflag:s15], $0x1  }
0x94: {  	[sflag:s15] =	ssyncset.done $0x0  }
0x95: {  	[sflag:s15] =	ssyncadd.s32 $0xFFFFFFFF  }
0x96: {  	s16 =	sld [smem:$0x10];
	(tm) =	ssettm $0x1  }
0x97: {  	s17 =	sld [smem:$0x3FFB];
	_ =	sdelay $0x3  }
0x98: {  	_ =	strace s17  }
0x99: {  	s3 =	sld [smem:$0x3FFC];
	_ =	sdelay $0x3  }
0x9a: {  	_ =	strace s3  }
0x9b: {  	s3 =	sld [smem:$0x3FFD];
	_ =	sdelay $0x3  }
0x9c: {  	_ =	strace s3  }
0x9d: {  	_ =	strace $0x8FFFFFFF  }
0x9e: {  	s18 =	sld [smem:$0x3FDB];
	_ =	sdelay $0x1  }
0x9f: {  	s19 =	simm.s32 $_scs_section_size  }
0xa0: {  	s5 =	simm.s32 $_size__tile_overlayer_lowered;
	s6 =	simm.s32 $_tile_overlayer_lowered  }
0xa1: {  	s22 =	simm.s32 $0x1BFF;
	s21 =	sshll.u32 s6, $0x1;
	s3 =	sadd.s32 s19, s18  }
0xa2: {  	s7 =	simm.s32 $0x0;
	s20 =	sshll.u32 s5, $0x1;
	s5 =	sadd.s32 s21, s3  }
0xa3: {  	[timem:s7], [sflag:s22] =	dma.local [hbm:s5], s20  }
0xa4: {  	_ =	swait.ge [sflag:s22], s20  }
0xa5: {  	s4 =	ssub.s32 $0x0, s20;
	[sflag:s22] =	ssyncset.done $0x0  }
0xa6: {  	[sflag:s22] =	ssyncadd.s32 s4;
	_ =	sdelay $0x1  }
0xa7: {  	s23 =	simm.s32 $0x1B8B  }
0xa8: {  	_ =	swait.ge [sflag:s23], $0x1  }
0xa9: {  	[sflag:s23] =	ssyncset.done $0x0  }
0xaa: {  	s25 =	simm.s32 $0x1B8E;
	s24 =	sld [smem:$0x3FFE];
	[sflag:s23] =	ssyncadd.s32 $0xFFFFFFFF  }
0xab: {  	s26 =	simm.s32 $execute0_lowered;
	[smem:$0x3FD2] =	sst s25  }
0xac: {  	s5 =	sshll.u32 s26, $0x1;
	_ =	strace $0x8000004C;
	[dreg:$0x1] =	wrdreg $0xFFFFFFFF  }
0xad: {  	s28 =	simm.s32 $_size_execute0_lowered;
	s3 =	sadd.s32 s3, s5;
	[dreg:$0x0] =	wrdreg $0x0  }
0xae: {  	s5 =	sshll.u32 s28, $0x1;
	[dreg:$0x2] =	wrdreg s3  }
0xaf: {  	[dreg:$0x3] =	wrdreg s5  }
0xb0: {  	[dreg:$0x4] =	wrdreg $0xC0  }
0xb1: {  	_ =	task [dreg:s7], $0x5FFFF  }
0xb2: {  	[dreg:$0x1] =	wrdreg $0xFFFFFFFF  }
0xb3: {  	[dreg:$0x0] =	wrdreg $0x60  }
0xb4: {  	[dreg:$0x2] =	wrdreg s16  }
0xb5: {  	[dreg:$0x3] =	wrdreg s24  }
0xb6: {  	[dreg:$0x4] =	wrdreg $0x9  }
0xb7: {  	_ =	task.clear_ibuf [dreg:s7], $0x5FFFF;
	_ =	strace $0x9000004C  }
0xb8: {  	s29 =	simm.s32 $0x9;
	_ =	strace $0x8000004E  }
0xb9: {  	_ =	swait.ge [sflag:s29], $0x1  }
0xba: {  	[sflag:s29] =	ssyncadd.s32 $0xFFFFFFFF  }
0xbb: {  	_ =	strace $0x9000004E  }
0xbc: {  	_ =	sfence  }
0xbd: {  	s30 =	sld [smem:$0x0];
	_ =	sdelay $0x2  }
0xbe: {  	s31 =	sshll.u32 s1, $0xD;
	s1 =	sshrl.u32 s1, $0x2  }
0xbf: {  	s3 =	sand.u32 $0x4000, s31;
	s1 =	sadd.s32 s1, s30  }
0xc0: {  	s0 =	sor.u32 s3, s0;
	s1 =	sshll.u32 s1, $0x11  }
0xc1: {  	s0 =	sor.u32 s1, s0  }
0xc2: {  	s0 =	sadd.s32 $0x8F2B, s0  }
0xc3: {  	[sflag:s0] =	ssyncadd.remote.s32 $0x1  }
0xc4: {  	_ =	sfence.sel $0xFFFF  }
0xc5: {  	[dreg:$0x0] =	wrdreg $0xFFFFFFFF;
	(pc) =	sbr.abs _section_cstart, $3  }
0xc6: {  	[dreg:$0x1] =	wrdreg $0xFFFFFFFF  }
0xc7: {  	_ =	task.clear_ibuf [dreg:s7], $0x2FFFF;
	_ =	strace $0x9FFFFFFF  }
0xc8: {  	(tm) =	ssettm $0x7FFFFFFF  }
0xc9: {  	_ =	shalt  }
tec
execute0_lowered:
.L_overlay_start_1:
0x0: {  	(tag) =	ssettag $0x1  }
0x1: {  	s2 =	rddreg [dreg:$0x0];
	s1 =	srdreg.scid  }
0x2: {  	s0 =	stileid.u32;
	s4 =	rddreg [dreg:$0x1];
	s9 =	simm.s32 $0x2780  }
0x3: {  	s10 =	simm.s32 $0x1;
	s11 =	simm.s32 $0x2;
	s12 =	simm.s32 $0x3  }
0x4: {  	s13 =	simm.s32 $0xEF00;
	s14 =	simm.s32 $0x80;
	s15 =	simm.s32 $0x400  }
0x5: {  	s16 =	simm.s32 $0x4;
	s17 =	simm.s32 $0x0;
	s5 =	sand.u32 $0x1, s1  }
0x6: {  	s3 =	sshll.u32 s0, $0x1;
	s1 =	rddreg [dreg:$0x2];
	s7 =	sshrl.u32 s0, $0x2  }
0x7: {  	s6 =	sor.u32 s5, s3;
	s3 =	simm.s32 $0x0;
	s7 =	smul.u32 $0x50000, s7  }
0x8: {  	s5 =	ssub.s32 $0x2, s5;
	s8 =	sshll.u32 s6, $0x7;
	s6 =	smul.u32 $0x2710, s6  }
0x9: {  	[smem:$0x7FF] =	sst s3;
	s30 =	sshrl.u32 s5, $0x1;
	s8 =	sand.u32 $0x380, s8  }
0xa: {  	_ =	strace $0x8000004D;
	s7 =	sor.u32 s7, s8;
	s6 =	sshrl.u32 s6, $0x3  }
0xb: {  	s31 =	ssub.s32 s5, s30;
	s7 =	sshrl.u32 s7, $0x3;
	s6 =	sadd.s32 s6, s4  }
0xc: {  	s8 =	simm.s32 $0x4F00;
	s7 =	sadd.s32 s7, s4;
	s4 =	sadd.s32 $0x2E00, s6  }
0xd: {  	v0 =	vimm.f32 $0.0e+00;
	s5 =	sadd.s32 $0xCA40, s6;
	s6 =	sadd.s32 $0x16800, s7;
	s7 =	smax.u32 s31, $0x1  }
.LBB2_1:
0xe: {  	[tilespmem:s8], [sflag:$0x1] =	stream.linear.gather [hbm4b:s2+s3], $0xA000, $0x38;
	[tilespmem:$0x18F00] =	vst v63  }
0xf: {  	_ = 	snop  }
0x10: {  	[tilespmem:s3], [sflag:$0x2] =	stream.linear.gather [hbm4b:s4+s3], $0x2710, $0x38;
	[tilespmem:$0x18F00] =	vst v63  }
0x11: {  	s19 =	simm.s32 $0x100;
	s18 =	simm.s32 $0x0  }
0x12: {  	[tilespmem:s9], [sflag:$0x3] =	stream.linear.gather [hbm4b:s5+s3], $0x2710, $0x38;
	[tilespmem:$0x18F00] =	vst v63  }
.LBB2_2:
0x13: {  	p0 =	sne.s32 s19, $0x27F00;
	[tilespmem:s18+$0xEF30] =	vst v0;
	s20 =	smov.u32 s19;
	s19 =	sadd.s32 $0x100, s19  }
.Ltmp0:
0x14: {  	[tilespmem:s18+$0xEF20] =	vst v0;
	(pc) =	sbr.rel @p0 .LBB2_2-.Ltmp0, $3  }
0x15: {  	[tilespmem:s18+$0xEF00] =	vst v0  }
0x16: {  	[tilespmem:s18+$0xEF10] =	vst v0;
	_ =	sdelay $0x1  }
0x17: {  	s18 =	sshra.s32 s20, $0x2  }
0x18: {  	[tilespmem:s18+$0xEF30] =	vst v0  }
0x19: {  	[tilespmem:s18+$0xEF20] =	vst v0  }
0x1a: {  	[tilespmem:s18+$0xEF00] =	vst v0  }
0x1b: {  	[tilespmem:s18+$0xEF10] =	vst v0  }
0x1c: {  	_ =	swait.ge [sflag:s10], $0xA000  }
0x1d: {  	[sflag:s10] =	ssyncset.done $0x0  }
0x1e: {  	[sflag:s10] =	ssyncadd.s32 $0xFFFF6000  }
0x1f: {  	_ =	swait.ge [sflag:s11], $0x2710  }
0x20: {  	[sflag:s11] =	ssyncset.done $0x0  }
0x21: {  	[sflag:s11] =	ssyncadd.s32 $0xFFFFD8F0  }
0x22: {  	_ =	swait.ge [sflag:s12], $0x2710  }
0x23: {  	[sflag:s12] =	ssyncset.done $0x0  }
0x24: {  	s20 =	simm.s32 $0x0;
	[sflag:s12] =	ssyncadd.s32 $0xFFFFD8F0  }
0x25: {  	v1 =	vld [tilespmem:s20+$0x0]  }
0x26: {  	s19 =	simm.s32 $0x20;
	s21 =	simm.s32 $0x180;
	s18 =	simm.s32 $0x40;
	v2 =	vld [tilespmem:s20+$0x10]  }
.LBB2_4:
0x27: {  	p0 =	sne.s32 s21, $0x9B80;
	s22 =	smov.u32 s21;
	s21 =	sadd.s32 $0x80, s21  }
0x28: {  	s22 =	sshra.s32 s22, $0x2;
	_ =	sdelay $0x1  }
0x29: {  	v3 =	vadd.s32 $0x2800, v1;
	v4 =	vadd.s32 $0x7800, v1  }
0x2a: {  	v5 =	vld [tilespmem:s20+$0x2790];
	v6 =	vadd.s32 $0x2800, v2;
	v7 =	vadd.s32 $0x5000, v2  }
0x2b: {  	v9 =	vadd.s32 $0x5000, v1;
	v10 =	vadd.s32 $0x7800, v2;
	v8 =	vld [tilespmem:s20+$0x2780];
	s20 =	smov.u32 s19;
	s19 =	smov.u32 s18;
	s18 =	smov.u32 s22  }
0x2c: {  	v1 =	vld.idx.msk [tilespmem:v1+s8+$0x0], $0xffff  }
0x2d: {  	v2 =	vld.idx.msk [tilespmem:v2+s8+$0x0], $0xffff  }
0x2e: {  	v3 =	vld.idx.msk [tilespmem:v3+s8+$0x0], $0xffff  }
0x2f: {  	v4 =	vld.idx.msk [tilespmem:v4+s8+$0x0], $0xffff  }
0x30: {  	v9 =	vld.idx.msk [tilespmem:v9+s8+$0x0], $0xffff;
	v11 =	vadd.s32 $0x2800, v8  }
0x31: {  	v12 =	vadd.s32 $0x5000, v8;
	v6 =	vld.idx.msk [tilespmem:v6+s8+$0x0], $0xffff  }
0x32: {  	v13 =	vadd.s32 $0x7800, v8;
	v10 =	vld.idx.msk [tilespmem:v10+s8+$0x0], $0xffff  }
0x33: {  	v7 =	vld.idx.msk [tilespmem:v7+s8+$0x0], $0xffff  }
0x34: {  	[tilespmem:v8+s13+$0x0] =	vst.idx.add.f32.msk $0xffff, v1;
	v1 =	vadd.s32 $0x2800, v5  }
0x35: {  	[tilespmem:v11+s13+$0x0] =	vst.idx.add.f32.msk $0xffff, v3;
	v3 =	vadd.s32 $0x5000, v5  }
0x36: {  	v8 =	vadd.s32 $0x7800, v5;
	[tilespmem:v12+s13+$0x0] =	vst.idx.add.f32.msk $0xffff, v9  }
0x37: {  	[tilespmem:v13+s13+$0x0] =	vst.idx.add.f32.msk $0xffff, v4  }
0x38: {  	[tilespmem:v5+s13+$0x0] =	vst.idx.add.f32.msk $0xffff, v2  }
.Ltmp1:
0x39: {  	[tilespmem:v1+s13+$0x0] =	vst.idx.add.f32.msk $0xffff, v6;
	(pc) =	sbr.rel @p0 .LBB2_4-.Ltmp1, $4  }
0x3a: {  	[tilespmem:v3+s13+$0x0] =	vst.idx.add.f32.msk $0xffff, v7  }
0x3b: {  	[tilespmem:v8+s13+$0x0] =	vst.idx.add.f32.msk $0xffff, v10  }
0x3c: {  	v1 =	vld [tilespmem:s20+$0x0]  }
0x3d: {  	v2 =	vld [tilespmem:s20+$0x10]  }
0x3e: {  	_ =	sdelay $0x3  }
0x3f: {  	v3 =	vadd.s32 $0x2800, v1  }
0x40: {  	v5 =	vld [tilespmem:s20+$0x2790];
	v4 =	vadd.s32 $0x7800, v1  }
0x41: {  	v6 =	vld [tilespmem:s20+$0x2780];
	v7 =	vadd.s32 $0x5000, v1  }
0x42: {  	v1 =	vld.idx.msk [tilespmem:v1+s8+$0x0], $0xffff;
	v8 =	vadd.s32 $0x2800, v2  }
0x43: {  	v9 =	vadd.s32 $0x7800, v2;
	v10 =	vld.idx.msk [tilespmem:v2+s8+$0x0], $0xffff  }
0x44: {  	v2 =	vadd.s32 $0x5000, v2;
	v3 =	vld.idx.msk [tilespmem:v3+s8+$0x0], $0xffff  }
0x45: {  	v4 =	vld.idx.msk [tilespmem:v4+s8+$0x0], $0xffff  }
0x46: {  	v11 =	vadd.s32 $0x2800, v6;
	v7 =	vld.idx.msk [tilespmem:v7+s8+$0x0], $0xffff  }
0x47: {  	v12 =	vadd.s32 $0x5000, v6;
	v8 =	vld.idx.msk [tilespmem:v8+s8+$0x0], $0xffff  }
0x48: {  	v13 =	vadd.s32 $0x7800, v6;
	v9 =	vld.idx.msk [tilespmem:v9+s8+$0x0], $0xffff  }
0x49: {  	v2 =	vld.idx.msk [tilespmem:v2+s8+$0x0], $0xffff  }
0x4a: {  	[tilespmem:v6+s13+$0x0] =	vst.idx.add.f32.msk $0xffff, v1;
	v1 =	vadd.s32 $0x2800, v5  }
0x4b: {  	[tilespmem:v11+s13+$0x0] =	vst.idx.add.f32.msk $0xffff, v3;
	v3 =	vadd.s32 $0x5000, v5  }
0x4c: {  	v47 =	vadd.s32 $0x7800, v5;
	[tilespmem:v12+s13+$0x0] =	vst.idx.add.f32.msk $0xffff, v7  }
0x4d: {  	[tilespmem:v13+s13+$0x0] =	vst.idx.add.f32.msk $0xffff, v4  }
0x4e: {  	[tilespmem:v5+s13+$0x0] =	vst.idx.add.f32.msk $0xffff, v10  }
0x4f: {  	[tilespmem:v1+s13+$0x0] =	vst.idx.add.f32.msk $0xffff, v8  }
0x50: {  	[tilespmem:v3+s13+$0x0] =	vst.idx.add.f32.msk $0xffff, v2  }
0x51: {  	[tilespmem:v47+s13+$0x0] =	vst.idx.add.f32.msk $0xffff, v9  }
0x52: {  	v1 =	vld [tilespmem:s19+$0x0]  }
0x53: {  	v2 =	vld [tilespmem:s19+$0x10];
	_ =	sdelay $0x3  }
0x54: {  	v3 =	vadd.s32 $0x2800, v1  }
0x55: {  	v5 =	vld [tilespmem:s19+$0x2790];
	v48 =	vadd.s32 $0x7800, v1  }
0x56: {  	v6 =	vld [tilespmem:s19+$0x2780];
	v49 =	vadd.s32 $0x5000, v1  }
0x57: {  	v50 =	vadd.s32 $0x2800, v2;
	v1 =	vld.idx.msk [tilespmem:v1+s8+$0x0], $0xffff  }
0x58: {  	v51 =	vadd.s32 $0x7800, v2;
	v10 =	vld.idx.msk [tilespmem:v2+s8+$0x0], $0xffff  }
0x59: {  	v2 =	vadd.s32 $0x5000, v2;
	v3 =	vld.idx.msk [tilespmem:v3+s8+$0x0], $0xffff  }
0x5a: {  	v4 =	vld.idx.msk [tilespmem:v48+s8+$0x0], $0xffff  }
0x5b: {  	v52 =	vadd.s32 $0x2800, v6;
	v7 =	vld.idx.msk [tilespmem:v49+s8+$0x0], $0xffff  }
0x5c: {  	v53 =	vadd.s32 $0x5000, v6;
	v8 =	vld.idx.msk [tilespmem:v50+s8+$0x0], $0xffff  }
0x5d: {  	v54 =	vadd.s32 $0x7800, v6;
	v9 =	vld.idx.msk [tilespmem:v51+s8+$0x0], $0xffff  }
0x5e: {  	v2 =	vld.idx.msk [tilespmem:v2+s8+$0x0], $0xffff  }
0x5f: {  	[tilespmem:v6+s13+$0x0] =	vst.idx.add.f32.msk $0xffff, v1;
	v1 =	vadd.s32 $0x2800, v5  }
0x60: {  	[tilespmem:v52+s13+$0x0] =	vst.idx.add.f32.msk $0xffff, v3;
	v3 =	vadd.s32 $0x5000, v5  }
0x61: {  	v55 =	vadd.s32 $0x7800, v5;
	[tilespmem:v53+s13+$0x0] =	vst.idx.add.f32.msk $0xffff, v7  }
0x62: {  	[tilespmem:v54+s13+$0x0] =	vst.idx.add.f32.msk $0xffff, v4  }
0x63: {  	[tilespmem:v5+s13+$0x0] =	vst.idx.add.f32.msk $0xffff, v10  }
0x64: {  	[tilespmem:v1+s13+$0x0] =	vst.idx.add.f32.msk $0xffff, v8  }
0x65: {  	[tilespmem:v3+s13+$0x0] =	vst.idx.add.f32.msk $0xffff, v2  }
0x66: {  	[tilespmem:v55+s13+$0x0] =	vst.idx.add.f32.msk $0xffff, v9  }
0x67: {  	v1 =	vld [tilespmem:s18+$0x0]  }
0x68: {  	v2 =	vld [tilespmem:s18+$0x10];
	_ =	sdelay $0x3  }
0x69: {  	v3 =	vadd.s32 $0x2800, v1  }
0x6a: {  	v5 =	vld [tilespmem:s18+$0x2790];
	v56 =	vadd.s32 $0x7800, v1  }
0x6b: {  	v6 =	vld [tilespmem:s18+$0x2780];
	v57 =	vadd.s32 $0x5000, v1  }
0x6c: {  	v58 =	vadd.s32 $0x2800, v2;
	v1 =	vld.idx.msk [tilespmem:v1+s8+$0x0], $0xffff  }
0x6d: {  	v59 =	vadd.s32 $0x7800, v2;
	v10 =	vld.idx.msk [tilespmem:v2+s8+$0x0], $0xffff  }
0x6e: {  	v2 =	vadd.s32 $0x5000, v2;
	v3 =	vld.idx.msk [tilespmem:v3+s8+$0x0], $0xffff  }
0x6f: {  	v4 =	vld.idx.msk [tilespmem:v56+s8+$0x0], $0xffff  }
0x70: {  	v60 =	vadd.s32 $0x2800, v6;
	v7 =	vld.idx.msk [tilespmem:v57+s8+$0x0], $0xffff  }
0x71: {  	v61 =	vadd.s32 $0x5000, v6;
	v8 =	vld.idx.msk [tilespmem:v58+s8+$0x0], $0xffff  }
0x72: {  	v62 =	vadd.s32 $0x7800, v6;
	v9 =	vld.idx.msk [tilespmem:v59+s8+$0x0], $0xffff  }
0x73: {  	v2 =	vld.idx.msk [tilespmem:v2+s8+$0x0], $0xffff  }
0x74: {  	[tilespmem:v6+s13+$0x0] =	vst.idx.add.f32.msk $0xffff, v1;
	v1 =	vadd.s32 $0x2800, v5  }
0x75: {  	[tilespmem:v60+s13+$0x0] =	vst.idx.add.f32.msk $0xffff, v3;
	v3 =	vadd.s32 $0x5000, v5  }
0x76: {  	v63 =	vadd.s32 $0x7800, v5;
	[tilespmem:v61+s13+$0x0] =	vst.idx.add.f32.msk $0xffff, v7  }
0x77: {  	[tilespmem:v62+s13+$0x0] =	vst.idx.add.f32.msk $0xffff, v4  }
0x78: {  	[tilespmem:v5+s13+$0x0] =	vst.idx.add.f32.msk $0xffff, v10  }
0x79: {  	s17 =	sadd.s32 $0x1, s17;
	[tilespmem:v1+s13+$0x0] =	vst.idx.add.f32.msk $0xffff, v8  }
0x7a: {  	p0 =	sne.s32 s17, s7;
	[tilespmem:v3+s13+$0x0] =	vst.idx.add.f32.msk $0xffff, v2  }
.Ltmp2:
0x7b: {  	[tilespmem:v63+s13+$0x0] =	vst.idx.add.f32.msk $0xffff, v9;
	(pc) =	sbr.rel @p0 .LBB2_1-.Ltmp2, $4  }
0x7c: {  	[hbm4b:s6+s14] =	stream.strided.scatter [tilespmem:s13], [sflag:$0x4], $0xA000, s15, s14, $0x38;
	[tilespmem:$0x18F00] =	vst v63  }
0x7d: {  	_ =	swait.ge [sflag:s16], $0xA000  }
0x7e: {  	[sflag:s16] =	ssyncset.done $0x0  }
0x7f: {  	[sflag:s16] =	ssyncadd.s32 $0xFFFF6000  }
0x80: {  	_ =	sfence.sel $0x180000  }
0x81: {  	[bflag:$0x0] =	sbarrier.arrive $0xFFFF  }
0x82: {  	p0 =	sne.s32 s0, $0x0;
	_ =	strace $0x9000004D  }
0x83: {  	s0 =	sadd.s32 @!p0 $0x100000, s1;
	[bflag:$0x2] =	sbarrier.arrive $0xFFFF  }
0x84: {  	[sflag:s0] =	ssyncadd.tile.s32 @!p0 $0x1;
	_ =	shalt  }
.Lfunc_end2:
_tile_overlayer_lowered:
.L_overlay_start_2:
0x85: {  	(tag) =	ssettag $0x2  }
0x86: {  	s0 =	rddreg [dreg:$0x0];
	s2 =	stileid.u32  }
0x87: {  	s1 =	rddreg [dreg:$0x1];
	p0 =	sne.s32 s2, $0x0  }
0x88: {  	s3 =	rddreg [dreg:$0x2];
	[bflag:$0x3] =	sbarrier.arrive $0xFFFF;
	s2 =	simm.s32 @!p0 $0x1C04  }
0x89: {  	[timem:s3], [sflag:s2] =	dma.local @!p0 [hbm:s0], s1  }
0x8a: {  	s0 =	simm.s32 @!p0 $0x4  }
0x8b: {  	_ =	swait.ge @!p0 [sflag:s0], s1  }
0x8c: {  	s1 =	ssub.s32 @!p0 $0x0, s1;
	[sflag:s0] =	ssyncset.done @!p0 $0x0  }
0x8d: {  	[sflag:s0] =	ssyncadd.s32 @!p0 s1  }
0x8e: {  	[bflag:$0x3] =	sbarrier.arrive $0xFFFF  }
0x8f: {  	_ =	shalt  }

// kernel: kernel.19.cloned.1.call-start
scs
__scs_entry_jumppad:
0x0: {  	(pc) =	sbr.rel $0x88, $3  }
0x1: {  	(tag) =	ssettag $0x0;
	lr =	simm.s32 $0x1  }
0x2: {  	[smem:$0x3F97] =	sst lr;
	_ =	strace $0xD0000000  }
0x3: {  	_ = 	snop  }
0x4: {  	_ = 	snop  }
0x5: {  	_ = 	snop  }
0x6: {  	_ = 	snop  }
0x7: {  	_ = 	snop  }
__scs_overlays_trampoline_lowered:
0x8: {  	[smem:$0x3FA6] =	sst s0  }
0x9: {  	[smem:$0x3FA7] =	sst s1  }
0xa: {  	[smem:$0x3FA8] =	sst s2  }
0xb: {  	[smem:$0x3FA9] =	sst s3  }
0xc: {  	[smem:$0x3FAA] =	sst s4  }
0xd: {  	[smem:$0x3FAB] =	sst s5  }
0xe: {  	[smem:$0x3FAC] =	sst s6  }
0xf: {  	[smem:$0x3FAD] =	sst s7  }
0x10: {  	[smem:$0x3FAE] =	sst s8  }
0x11: {  	[smem:$0x3FAF] =	sst s9;
	s0 =	simm.s32 @!p0 $0x0  }
0x12: {  	s1 =	sld [smem:$0x3F95];
	s0 =	simm.s32 @p0 $0x1  }
0x13: {  	[smem:$0x3FB0] =	sst s0;
	s0 =	simm.s32 @!p1 $0x0  }
0x14: {  	s2 =	sld [smem:$0x3F94];
	s0 =	simm.s32 @p1 $0x1  }
0x15: {  	[smem:$0x3FB1] =	sst s0;
	s0 =	simm.s32 @!p2 $0x0  }
0x16: {  	s3 =	sld [smem:$0x3FDB];
	s0 =	simm.s32 @p2 $0x1  }
0x17: {  	s4 =	simm.s32 $0x1BF5;
	[smem:$0x3FB3] =	sst s0  }
0x18: {  	s0 =	sld [smem:$0x3F96];
	_ =	swait.ge [sflag:s4], $0x0  }
0x19: {  	s7 =	sld [smem:$0x3F97]  }
0x1a: {  	s8 =	sadd.s32 $0xFFFFE003, lr  }
0x1b: {  	s9 =	sadd.s32 $0xFFFFFEF7, lr;
	s5 =	simm.s32 $0xFFFFFFFF;
	p2 =	slt.u32 s8, $0xFFFFF086  }
0x1c: {  	p1 =	slt.u32 s9, $0xF7A;
	s5 =	simm.s32 @!p2 $0x0  }
0x1d: {  	s5 =	simm.s32 @p1 $0x1;
	p0 =	seq.s32 s7, s2  }
0x1e: {  	s7 =	smul.u32 @!p0 $0xF7A, s2;
	p2 =	seq.s32 @!p0 s5, $0x0  }
0x1f: {  	s9 =	smul.u32 $0xF7A, s1;
	s8 =	simm.s32 @!p0 $0x1BF5;
	p2 =	por !p2, p0  }
0x20: {  	[sflag:s8] =	ssyncset.s32 @!p0 $0xFFFFF086;
	s6 =	sadd.s32 @!p0 s3, s7;
	s7 =	simm.s32 @!p0 $0x108  }
0x21: {  	s3 =	sadd.s32 s3, s9;
	s6 =	sadd.s32 @!p0 $0x88, s6;
	s7 =	simm.s32 @p2 $0x1082  }
0x22: {  	[simem:s7], [sflag:s8] =	dma.local @!p0 [hbm:s6], $0xF7A  }
0x23: {  	s9 =	sor.u32 $0xD0000000, s2;
	s6 =	simm.s32 $0x108;
	_ =	swait.ge @!p0 [sflag:s8], $0x0  }
0x24: {  	s3 =	sadd.s32 $0x88, s3;
	s6 =	simm.s32 @!p1 $0x1082;
	[sflag:s4] =	ssyncset.s32 $0xFFFFF086  }
0x25: {  	[simem:s6], [sflag:s4] =	dma.local [hbm:s3], $0xF7A  }
0x26: {  	[smem:$0x3F97] =	sst s1;
	(tag) =	ssettag s2;
	_ =	strace s9  }
0x27: {  	s1 =	sld [smem:$0x3FA7]  }
0x28: {  	s2 =	sld [smem:$0x3FA8]  }
0x29: {  	s4 =	sld [smem:$0x3FAA]  }
0x2a: {  	p0 =	seq.s32 s5, $0x0;
	s5 =	sld [smem:$0x3FAB]  }
0x2b: {  	s6 =	sld [smem:$0x3FAC]  }
0x2c: {  	s7 =	sld [smem:$0x3FAD]  }
0x2d: {  	s3 =	simm.s32 $0x108;
	s8 =	sld [smem:$0x3FAE]  }
0x2e: {  	s3 =	simm.s32 @!p0 $0x1082;
	s9 =	sld [smem:$0x3FAF]  }
0x2f: {  	lr =	sadd.s32 s0, s3;
	s0 =	sld [smem:$0x3FA6]  }
0x30: {  	s3 =	sld [smem:$0x3FA9]  }
0x31: {  	[smem:$0x3FB2] =	sst s10  }
0x32: {  	s10 =	sld [smem:$0x3FB0];
	_ =	sdelay $0x3  }
0x33: {  	p0 =	seq.s32 s10, $0x1;
	s10 =	sld [smem:$0x3FB2];
	_ =	sdelay $0x3  }
0x34: {  	[smem:$0x3FB2] =	sst s10  }
0x35: {  	s10 =	sld [smem:$0x3FB1];
	_ =	sdelay $0x3  }
0x36: {  	p1 =	seq.s32 s10, $0x1;
	s10 =	sld [smem:$0x3FB2];
	_ =	sdelay $0x3  }
0x37: {  	[smem:$0x3FB2] =	sst s10  }
0x38: {  	s10 =	sld [smem:$0x3FB3]  }
0x39: {  	_ = 	snop;
	(pc) =	sbr.ind lr, $3  }
0x3a: {  	_ = 	snop  }
0x3b: {  	_ = 	snop  }
0x3c: {  	p2 =	seq.s32 s10, $0x1;
	s10 =	sld [smem:$0x3FB2]  }
0x3d: {  	_ =	shalt  }
0x3e: {  	_ =	shalt  }
0x3f: {  	_ =	shalt  }
0x40: {  	_ =	shalt  }
0x41: {  	_ =	shalt  }
0x42: {  	_ =	shalt  }
0x43: {  	_ =	shalt  }
0x44: {  	_ =	shalt  }
0x45: {  	_ =	shalt  }
0x46: {  	_ =	shalt  }
0x47: {  	_ =	shalt  }
0x48: {  	_ =	shalt  }
0x49: {  	_ =	shalt  }
0x4a: {  	_ =	shalt  }
0x4b: {  	_ =	shalt  }
0x4c: {  	_ =	shalt  }
0x4d: {  	_ =	shalt  }
0x4e: {  	_ =	shalt  }
0x4f: {  	_ =	shalt  }
0x50: {  	_ =	shalt  }
0x51: {  	_ =	shalt  }
0x52: {  	_ =	shalt  }
0x53: {  	_ =	shalt  }
0x54: {  	_ =	shalt  }
0x55: {  	_ =	shalt  }
0x56: {  	_ =	shalt  }
0x57: {  	_ =	shalt  }
0x58: {  	_ =	shalt  }
0x59: {  	_ =	shalt  }
0x5a: {  	_ =	shalt  }
0x5b: {  	_ =	shalt  }
0x5c: {  	_ =	shalt  }
0x5d: {  	_ =	shalt  }
0x5e: {  	_ =	shalt  }
0x5f: {  	_ =	shalt  }
0x60: {  	_ =	shalt  }
0x61: {  	_ =	shalt  }
0x62: {  	_ =	shalt  }
0x63: {  	_ =	shalt  }
0x64: {  	_ =	shalt  }
0x65: {  	_ =	shalt  }
0x66: {  	_ =	shalt  }
0x67: {  	_ =	shalt  }
0x68: {  	_ =	shalt  }
0x69: {  	_ =	shalt  }
0x6a: {  	_ =	shalt  }
0x6b: {  	_ =	shalt  }
0x6c: {  	_ =	shalt  }
0x6d: {  	_ =	shalt  }
0x6e: {  	_ =	shalt  }
0x6f: {  	_ =	shalt  }
0x70: {  	_ =	shalt  }
0x71: {  	_ =	shalt  }
0x72: {  	_ =	shalt  }
0x73: {  	_ =	shalt  }
0x74: {  	_ =	shalt  }
0x75: {  	_ =	shalt  }
0x76: {  	_ =	shalt  }
0x77: {  	_ =	shalt  }
0x78: {  	_ =	shalt  }
0x79: {  	_ =	shalt  }
0x7a: {  	_ =	shalt  }
0x7b: {  	_ =	shalt  }
0x7c: {  	_ =	shalt  }
0x7d: {  	_ =	shalt  }
0x7e: {  	_ =	shalt  }
0x7f: {  	_ =	shalt  }
0x80: {  	_ =	shalt  }
0x81: {  	_ =	shalt  }
0x82: {  	_ =	shalt  }
0x83: {  	_ =	shalt  }
0x84: {  	_ =	shalt  }
0x85: {  	_ =	shalt  }
0x86: {  	_ =	shalt  }
0x87: {  	_ =	shalt  }
.Lfunc_end0:
.L_simem_size_0:
called_computation.3_lowered:
.L_overlay_start_0:
0x88: {  	s2 =	sld [smem:$0x3FD9]  }
0x89: {  	s3 =	sld [smem:$0x3FFE];
	_ =	sdelay $0x1  }
0x8a: {  	s1 =	srdreg.scid  }
0x8b: {  	s0 =	sand.u32 $0x1, s1  }
0x8c: {  	s14 =	sshll.u32 s0, $0xA;
	s2 =	sadd.s32 s3, s2  }
0x8d: {  	s2 =	sadd.s32 s2, s14  }
0x8e: {  	[smem:$0x3FBE] =	sst s2  }
0x8f: {  	_ = 	snop  }
0x90: {  	s2 =	sld [smem:$0x3FD0];
	_ =	sdelay $0x2  }
0x91: {  	s15 =	simm.s32 $0xA;
	s4 =	simm.s32 $0x10  }
0x92: {  	[smem:s4], [sflag:s15] =	dma.local [hbm:s2], $0x1  }
0x93: {  	_ =	swait.eq [sflag:s15], $0x1  }
0x94: {  	[sflag:s15] =	ssyncset.done $0x0  }
0x95: {  	[sflag:s15] =	ssyncadd.s32 $0xFFFFFFFF  }
0x96: {  	s16 =	sld [smem:$0x10];
	(tm) =	ssettm $0x1  }
0x97: {  	s17 =	sld [smem:$0x3FFB];
	_ =	sdelay $0x3  }
0x98: {  	_ =	strace s17  }
0x99: {  	s3 =	sld [smem:$0x3FFC];
	_ =	sdelay $0x3  }
0x9a: {  	_ =	strace s3  }
0x9b: {  	s3 =	sld [smem:$0x3FFD];
	_ =	sdelay $0x3  }
0x9c: {  	_ =	strace s3  }
0x9d: {  	_ =	strace $0x8FFFFFFF  }
0x9e: {  	s18 =	sld [smem:$0x3FDB];
	_ =	sdelay $0x1  }
0x9f: {  	s19 =	simm.s32 $_scs_section_size  }
0xa0: {  	s5 =	simm.s32 $_size__tile_overlayer_lowered;
	s6 =	simm.s32 $_tile_overlayer_lowered  }
0xa1: {  	s22 =	simm.s32 $0x1BFF;
	s21 =	sshll.u32 s6, $0x1;
	s3 =	sadd.s32 s19, s18  }
0xa2: {  	s7 =	simm.s32 $0x0;
	s20 =	sshll.u32 s5, $0x1;
	s5 =	sadd.s32 s21, s3  }
0xa3: {  	[timem:s7], [sflag:s22] =	dma.local [hbm:s5], s20  }
0xa4: {  	_ =	swait.ge [sflag:s22], s20  }
0xa5: {  	s4 =	ssub.s32 $0x0, s20;
	[sflag:s22] =	ssyncset.done $0x0  }
0xa6: {  	[sflag:s22] =	ssyncadd.s32 s4;
	_ =	sdelay $0x1  }
0xa7: {  	s23 =	simm.s32 $0x1B8B  }
0xa8: {  	_ =	swait.ge [sflag:s23], $0x1  }
0xa9: {  	[sflag:s23] =	ssyncset.done $0x0  }
0xaa: {  	s25 =	simm.s32 $0x1B8E;
	s24 =	sld [smem:$0x3FFE];
	[sflag:s23] =	ssyncadd.s32 $0xFFFFFFFF  }
0xab: {  	s26 =	simm.s32 $execute0_lowered;
	[smem:$0x3FD2] =	sst s25  }
0xac: {  	s5 =	sshll.u32 s26, $0x1;
	_ =	strace $0x8000004F;
	[dreg:$0x1] =	wrdreg $0xFFFFFFFF  }
0xad: {  	s28 =	simm.s32 $_size_execute0_lowered;
	s3 =	sadd.s32 s3, s5;
	[dreg:$0x0] =	wrdreg $0x0  }
0xae: {  	s5 =	sshll.u32 s28, $0x1;
	[dreg:$0x2] =	wrdreg s3  }
0xaf: {  	[dreg:$0x3] =	wrdreg s5  }
0xb0: {  	[dreg:$0x4] =	wrdreg $0xC0  }
0xb1: {  	_ =	task [dreg:s7], $0x5FFFF  }
0xb2: {  	[dreg:$0x1] =	wrdreg $0xFFFFFFFF  }
0xb3: {  	[dreg:$0x0] =	wrdreg $0x60  }
0xb4: {  	[dreg:$0x2] =	wrdreg s16  }
0xb5: {  	[dreg:$0x3] =	wrdreg s24  }
0xb6: {  	[dreg:$0x4] =	wrdreg $0x9  }
0xb7: {  	_ =	task.clear_ibuf [dreg:s7], $0x5FFFF;
	_ =	strace $0x9000004F  }
0xb8: {  	s29 =	simm.s32 $0x9;
	_ =	strace $0x80000051  }
0xb9: {  	_ =	swait.ge [sflag:s29], $0x1  }
0xba: {  	[sflag:s29] =	ssyncadd.s32 $0xFFFFFFFF  }
0xbb: {  	_ =	strace $0x90000051  }
0xbc: {  	_ =	sfence  }
0xbd: {  	s30 =	sld [smem:$0x0];
	_ =	sdelay $0x2  }
0xbe: {  	s31 =	sshll.u32 s1, $0xD;
	s1 =	sshrl.u32 s1, $0x2  }
0xbf: {  	s3 =	sand.u32 $0x4000, s31;
	s1 =	sadd.s32 s1, s30  }
0xc0: {  	s0 =	sor.u32 s3, s0;
	s1 =	sshll.u32 s1, $0x11  }
0xc1: {  	s0 =	sor.u32 s1, s0  }
0xc2: {  	s0 =	sadd.s32 $0x8F2B, s0  }
0xc3: {  	[sflag:s0] =	ssyncadd.remote.s32 $0x1  }
0xc4: {  	_ =	sfence.sel $0xFFFF  }
0xc5: {  	[dreg:$0x0] =	wrdreg $0xFFFFFFFF;
	(pc) =	sbr.abs _section_cstart, $3  }
0xc6: {  	[dreg:$0x1] =	wrdreg $0xFFFFFFFF  }
0xc7: {  	_ =	task.clear_ibuf [dreg:s7], $0x2FFFF;
	_ =	strace $0x9FFFFFFF  }
0xc8: {  	(tm) =	ssettm $0x7FFFFFFF  }
0xc9: {  	_ =	shalt  }
tec
execute0_lowered:
.L_overlay_start_1:
0x0: {  	(tag) =	ssettag $0x1  }
0x1: {  	s2 =	rddreg [dreg:$0x0];
	s1 =	srdreg.scid  }
0x2: {  	s0 =	stileid.u32;
	s4 =	rddreg [dreg:$0x1];
	s9 =	simm.s32 $0x2780  }
0x3: {  	s10 =	simm.s32 $0x1;
	s11 =	simm.s32 $0x2;
	s12 =	simm.s32 $0x3  }
0x4: {  	s13 =	simm.s32 $0xEF00;
	s14 =	simm.s32 $0x80;
	s15 =	simm.s32 $0x400  }
0x5: {  	s16 =	simm.s32 $0x4;
	s17 =	simm.s32 $0x0;
	s5 =	sand.u32 $0x1, s1  }
0x6: {  	s3 =	sshll.u32 s0, $0x1;
	s1 =	rddreg [dreg:$0x2];
	s7 =	sshrl.u32 s0, $0x2  }
0x7: {  	s6 =	sor.u32 s5, s3;
	s3 =	simm.s32 $0x0;
	s7 =	smul.u32 $0x50000, s7  }
0x8: {  	s5 =	ssub.s32 $0x2, s5;
	s8 =	sshll.u32 s6, $0x7;
	s6 =	smul.u32 $0x2710, s6  }
0x9: {  	[smem:$0x7FF] =	sst s3;
	s30 =	sshrl.u32 s5, $0x1;
	s8 =	sand.u32 $0x380, s8  }
0xa: {  	_ =	strace $0x80000050;
	s7 =	sor.u32 s7, s8;
	s6 =	sshrl.u32 s6, $0x3  }
0xb: {  	s31 =	ssub.s32 s5, s30;
	s7 =	sshrl.u32 s7, $0x3;
	s6 =	sadd.s32 s6, s4  }
0xc: {  	s8 =	simm.s32 $0x4F00;
	s7 =	sadd.s32 s7, s4;
	s4 =	sadd.s32 $0x2E00, s6  }
0xd: {  	v0 =	vimm.f32 $0.0e+00;
	s5 =	sadd.s32 $0xCA40, s6;
	s6 =	sadd.s32 $0x16800, s7;
	s7 =	smax.u32 s31, $0x1  }
.LBB2_1:
0xe: {  	[tilespmem:s8], [sflag:$0x1] =	stream.linear.gather [hbm4b:s2+s3], $0xA000, $0x38;
	[tilespmem:$0x18F00] =	vst v63  }
0xf: {  	_ = 	snop  }
0x10: {  	[tilespmem:s3], [sflag:$0x2] =	stream.linear.gather [hbm4b:s4+s3], $0x2710, $0x38;
	[tilespmem:$0x18F00] =	vst v63  }
0x11: {  	s19 =	simm.s32 $0x100;
	s18 =	simm.s32 $0x0  }
0x12: {  	[tilespmem:s9], [sflag:$0x3] =	stream.linear.gather [hbm4b:s5+s3], $0x2710, $0x38;
	[tilespmem:$0x18F00] =	vst v63  }
.LBB2_2:
0x13: {  	p0 =	sne.s32 s19, $0x27F00;
	[tilespmem:s18+$0xEF30] =	vst v0;
	s20 =	smov.u32 s19;
	s19 =	sadd.s32 $0x100, s19  }
.Ltmp0:
0x14: {  	[tilespmem:s18+$0xEF20] =	vst v0;
	(pc) =	sbr.rel @p0 .LBB2_2-.Ltmp0, $3  }
0x15: {  	[tilespmem:s18+$0xEF00] =	vst v0  }
0x16: {  	[tilespmem:s18+$0xEF10] =	vst v0;
	_ =	sdelay $0x1  }
0x17: {  	s18 =	sshra.s32 s20, $0x2  }
0x18: {  	[tilespmem:s18+$0xEF30] =	vst v0  }
0x19: {  	[tilespmem:s18+$0xEF20] =	vst v0  }
0x1a: {  	[tilespmem:s18+$0xEF00] =	vst v0  }
0x1b: {  	[tilespmem:s18+$0xEF10] =	vst v0  }
0x1c: {  	_ =	swait.ge [sflag:s10], $0xA000  }
0x1d: {  	[sflag:s10] =	ssyncset.done $0x0  }
0x1e: {  	[sflag:s10] =	ssyncadd.s32 $0xFFFF6000  }
0x1f: {  	_ =	swait.ge [sflag:s11], $0x2710  }
0x20: {  	[sflag:s11] =	ssyncset.done $0x0  }
0x21: {  	[sflag:s11] =	ssyncadd.s32 $0xFFFFD8F0  }
0x22: {  	_ =	swait.ge [sflag:s12], $0x2710  }
0x23: {  	[sflag:s12] =	ssyncset.done $0x0  }
0x24: {  	s20 =	simm.s32 $0x0;
	[sflag:s12] =	ssyncadd.s32 $0xFFFFD8F0  }
0x25: {  	v1 =	vld [tilespmem:s20+$0x0]  }
0x26: {  	s19 =	simm.s32 $0x20;
	s21 =	simm.s32 $0x180;
	s18 =	simm.s32 $0x40;
	v2 =	vld [tilespmem:s20+$0x10]  }
.LBB2_4:
0x27: {  	p0 =	sne.s32 s21, $0x9B80;
	s22 =	smov.u32 s21;
	s21 =	sadd.s32 $0x80, s21  }
0x28: {  	s22 =	sshra.s32 s22, $0x2;
	_ =	sdelay $0x1  }
0x29: {  	v3 =	vadd.s32 $0x2800, v1;
	v4 =	vadd.s32 $0x7800, v1  }
0x2a: {  	v5 =	vld [tilespmem:s20+$0x2790];
	v6 =	vadd.s32 $0x2800, v2;
	v7 =	vadd.s32 $0x5000, v2  }
0x2b: {  	v9 =	vadd.s32 $0x5000, v1;
	v10 =	vadd.s32 $0x7800, v2;
	v8 =	vld [tilespmem:s20+$0x2780];
	s20 =	smov.u32 s19;
	s19 =	smov.u32 s18;
	s18 =	smov.u32 s22  }
0x2c: {  	v1 =	vld.idx.msk [tilespmem:v1+s8+$0x0], $0xffff  }
0x2d: {  	v2 =	vld.idx.msk [tilespmem:v2+s8+$0x0], $0xffff  }
0x2e: {  	v3 =	vld.idx.msk [tilespmem:v3+s8+$0x0], $0xffff  }
0x2f: {  	v4 =	vld.idx.msk [tilespmem:v4+s8+$0x0], $0xffff  }
0x30: {  	v9 =	vld.idx.msk [tilespmem:v9+s8+$0x0], $0xffff;
	v11 =	vadd.s32 $0x2800, v8  }
0x31: {  	v12 =	vadd.s32 $0x5000, v8;
	v6 =	vld.idx.msk [tilespmem:v6+s8+$0x0], $0xffff  }
0x32: {  	v13 =	vadd.s32 $0x7800, v8;
	v10 =	vld.idx.msk [tilespmem:v10+s8+$0x0], $0xffff  }
0x33: {  	v7 =	vld.idx.msk [tilespmem:v7+s8+$0x0], $0xffff  }
0x34: {  	[tilespmem:v8+s13+$0x0] =	vst.idx.add.f32.msk $0xffff, v1;
	v1 =	vadd.s32 $0x2800, v5  }
0x35: {  	[tilespmem:v11+s13+$0x0] =	vst.idx.add.f32.msk $0xffff, v3;
	v3 =	vadd.s32 $0x5000, v5  }
0x36: {  	v8 =	vadd.s32 $0x7800, v5;
	[tilespmem:v12+s13+$0x0] =	vst.idx.add.f32.msk $0xffff, v9  }
0x37: {  	[tilespmem:v13+s13+$0x0] =	vst.idx.add.f32.msk $0xffff, v4  }
0x38: {  	[tilespmem:v5+s13+$0x0] =	vst.idx.add.f32.msk $0xffff, v2  }
.Ltmp1:
0x39: {  	[tilespmem:v1+s13+$0x0] =	vst.idx.add.f32.msk $0xffff, v6;
	(pc) =	sbr.rel @p0 .LBB2_4-.Ltmp1, $4  }
0x3a: {  	[tilespmem:v3+s13+$0x0] =	vst.idx.add.f32.msk $0xffff, v7  }
0x3b: {  	[tilespmem:v8+s13+$0x0] =	vst.idx.add.f32.msk $0xffff, v10  }
0x3c: {  	v1 =	vld [tilespmem:s20+$0x0]  }
0x3d: {  	v2 =	vld [tilespmem:s20+$0x10]  }
0x3e: {  	_ =	sdelay $0x3  }
0x3f: {  	v3 =	vadd.s32 $0x2800, v1  }
0x40: {  	v5 =	vld [tilespmem:s20+$0x2790];
	v4 =	vadd.s32 $0x7800, v1  }
0x41: {  	v6 =	vld [tilespmem:s20+$0x2780];
	v7 =	vadd.s32 $0x5000, v1  }
0x42: {  	v1 =	vld.idx.msk [tilespmem:v1+s8+$0x0], $0xffff;
	v8 =	vadd.s32 $0x2800, v2  }
0x43: {  	v9 =	vadd.s32 $0x7800, v2;
	v10 =	vld.idx.msk [tilespmem:v2+s8+$0x0], $0xffff  }
0x44: {  	v2 =	vadd.s32 $0x5000, v2;
	v3 =	vld.idx.msk [tilespmem:v3+s8+$0x0], $0xffff  }
0x45: {  	v4 =	vld.idx.msk [tilespmem:v4+s8+$0x0], $0xffff  }
0x46: {  	v11 =	vadd.s32 $0x2800, v6;
	v7 =	vld.idx.msk [tilespmem:v7+s8+$0x0], $0xffff  }
0x47: {  	v12 =	vadd.s32 $0x5000, v6;
	v8 =	vld.idx.msk [tilespmem:v8+s8+$0x0], $0xffff  }
0x48: {  	v13 =	vadd.s32 $0x7800, v6;
	v9 =	vld.idx.msk [tilespmem:v9+s8+$0x0], $0xffff  }
0x49: {  	v2 =	vld.idx.msk [tilespmem:v2+s8+$0x0], $0xffff  }
0x4a: {  	[tilespmem:v6+s13+$0x0] =	vst.idx.add.f32.msk $0xffff, v1;
	v1 =	vadd.s32 $0x2800, v5  }
0x4b: {  	[tilespmem:v11+s13+$0x0] =	vst.idx.add.f32.msk $0xffff, v3;
	v3 =	vadd.s32 $0x5000, v5  }
0x4c: {  	v47 =	vadd.s32 $0x7800, v5;
	[tilespmem:v12+s13+$0x0] =	vst.idx.add.f32.msk $0xffff, v7  }
0x4d: {  	[tilespmem:v13+s13+$0x0] =	vst.idx.add.f32.msk $0xffff, v4  }
0x4e: {  	[tilespmem:v5+s13+$0x0] =	vst.idx.add.f32.msk $0xffff, v10  }
0x4f: {  	[tilespmem:v1+s13+$0x0] =	vst.idx.add.f32.msk $0xffff, v8  }
0x50: {  	[tilespmem:v3+s13+$0x0] =	vst.idx.add.f32.msk $0xffff, v2  }
0x51: {  	[tilespmem:v47+s13+$0x0] =	vst.idx.add.f32.msk $0xffff, v9  }
0x52: {  	v1 =	vld [tilespmem:s19+$0x0]  }
0x53: {  	v2 =	vld [tilespmem:s19+$0x10];
	_ =	sdelay $0x3  }
0x54: {  	v3 =	vadd.s32 $0x2800, v1  }
0x55: {  	v5 =	vld [tilespmem:s19+$0x2790];
	v48 =	vadd.s32 $0x7800, v1  }
0x56: {  	v6 =	vld [tilespmem:s19+$0x2780];
	v49 =	vadd.s32 $0x5000, v1  }
0x57: {  	v50 =	vadd.s32 $0x2800, v2;
	v1 =	vld.idx.msk [tilespmem:v1+s8+$0x0], $0xffff  }
0x58: {  	v51 =	vadd.s32 $0x7800, v2;
	v10 =	vld.idx.msk [tilespmem:v2+s8+$0x0], $0xffff  }
0x59: {  	v2 =	vadd.s32 $0x5000, v2;
	v3 =	vld.idx.msk [tilespmem:v3+s8+$0x0], $0xffff  }
0x5a: {  	v4 =	vld.idx.msk [tilespmem:v48+s8+$0x0], $0xffff  }
0x5b: {  	v52 =	vadd.s32 $0x2800, v6;
	v7 =	vld.idx.msk [tilespmem:v49+s8+$0x0], $0xffff  }
0x5c: {  	v53 =	vadd.s32 $0x5000, v6;
	v8 =	vld.idx.msk [tilespmem:v50+s8+$0x0], $0xffff  }
0x5d: {  	v54 =	vadd.s32 $0x7800, v6;
	v9 =	vld.idx.msk [tilespmem:v51+s8+$0x0], $0xffff  }
0x5e: {  	v2 =	vld.idx.msk [tilespmem:v2+s8+$0x0], $0xffff  }
0x5f: {  	[tilespmem:v6+s13+$0x0] =	vst.idx.add.f32.msk $0xffff, v1;
	v1 =	vadd.s32 $0x2800, v5  }
0x60: {  	[tilespmem:v52+s13+$0x0] =	vst.idx.add.f32.msk $0xffff, v3;
	v3 =	vadd.s32 $0x5000, v5  }
0x61: {  	v55 =	vadd.s32 $0x7800, v5;
	[tilespmem:v53+s13+$0x0] =	vst.idx.add.f32.msk $0xffff, v7  }
0x62: {  	[tilespmem:v54+s13+$0x0] =	vst.idx.add.f32.msk $0xffff, v4  }
0x63: {  	[tilespmem:v5+s13+$0x0] =	vst.idx.add.f32.msk $0xffff, v10  }
0x64: {  	[tilespmem:v1+s13+$0x0] =	vst.idx.add.f32.msk $0xffff, v8  }
0x65: {  	[tilespmem:v3+s13+$0x0] =	vst.idx.add.f32.msk $0xffff, v2  }
0x66: {  	[tilespmem:v55+s13+$0x0] =	vst.idx.add.f32.msk $0xffff, v9  }
0x67: {  	v1 =	vld [tilespmem:s18+$0x0]  }
0x68: {  	v2 =	vld [tilespmem:s18+$0x10];
	_ =	sdelay $0x3  }
0x69: {  	v3 =	vadd.s32 $0x2800, v1  }
0x6a: {  	v5 =	vld [tilespmem:s18+$0x2790];
	v56 =	vadd.s32 $0x7800, v1  }
0x6b: {  	v6 =	vld [tilespmem:s18+$0x2780];
	v57 =	vadd.s32 $0x5000, v1  }
0x6c: {  	v58 =	vadd.s32 $0x2800, v2;
	v1 =	vld.idx.msk [tilespmem:v1+s8+$0x0], $0xffff  }
0x6d: {  	v59 =	vadd.s32 $0x7800, v2;
	v10 =	vld.idx.msk [tilespmem:v2+s8+$0x0], $0xffff  }
0x6e: {  	v2 =	vadd.s32 $0x5000, v2;
	v3 =	vld.idx.msk [tilespmem:v3+s8+$0x0], $0xffff  }
0x6f: {  	v4 =	vld.idx.msk [tilespmem:v56+s8+$0x0], $0xffff  }
0x70: {  	v60 =	vadd.s32 $0x2800, v6;
	v7 =	vld.idx.msk [tilespmem:v57+s8+$0x0], $0xffff  }
0x71: {  	v61 =	vadd.s32 $0x5000, v6;
	v8 =	vld.idx.msk [tilespmem:v58+s8+$0x0], $0xffff  }
0x72: {  	v62 =	vadd.s32 $0x7800, v6;
	v9 =	vld.idx.msk [tilespmem:v59+s8+$0x0], $0xffff  }
0x73: {  	v2 =	vld.idx.msk [tilespmem:v2+s8+$0x0], $0xffff  }
0x74: {  	[tilespmem:v6+s13+$0x0] =	vst.idx.add.f32.msk $0xffff, v1;
	v1 =	vadd.s32 $0x2800, v5  }
0x75: {  	[tilespmem:v60+s13+$0x0] =	vst.idx.add.f32.msk $0xffff, v3;
	v3 =	vadd.s32 $0x5000, v5  }
0x76: {  	v63 =	vadd.s32 $0x7800, v5;
	[tilespmem:v61+s13+$0x0] =	vst.idx.add.f32.msk $0xffff, v7  }
0x77: {  	[tilespmem:v62+s13+$0x0] =	vst.idx.add.f32.msk $0xffff, v4  }
0x78: {  	[tilespmem:v5+s13+$0x0] =	vst.idx.add.f32.msk $0xffff, v10  }
0x79: {  	s17 =	sadd.s32 $0x1, s17;
	[tilespmem:v1+s13+$0x0] =	vst.idx.add.f32.msk $0xffff, v8  }
0x7a: {  	p0 =	sne.s32 s17, s7;
	[tilespmem:v3+s13+$0x0] =	vst.idx.add.f32.msk $0xffff, v2  }
.Ltmp2:
0x7b: {  	[tilespmem:v63+s13+$0x0] =	vst.idx.add.f32.msk $0xffff, v9;
	(pc) =	sbr.rel @p0 .LBB2_1-.Ltmp2, $4  }
0x7c: {  	[hbm4b:s6+s14] =	stream.strided.scatter [tilespmem:s13], [sflag:$0x4], $0xA000, s15, s14, $0x38;
	[tilespmem:$0x18F00] =	vst v63  }
0x7d: {  	_ =	swait.ge [sflag:s16], $0xA000  }
0x7e: {  	[sflag:s16] =	ssyncset.done $0x0  }
0x7f: {  	[sflag:s16] =	ssyncadd.s32 $0xFFFF6000  }
0x80: {  	_ =	sfence.sel $0x180000  }
0x81: {  	[bflag:$0x0] =	sbarrier.arrive $0xFFFF  }
0x82: {  	p0 =	sne.s32 s0, $0x0;
	_ =	strace $0x90000050  }
0x83: {  	s0 =	sadd.s32 @!p0 $0x100000, s1;
	[bflag:$0x2] =	sbarrier.arrive $0xFFFF  }
0x84: {  	[sflag:s0] =	ssyncadd.tile.s32 @!p0 $0x1;
	_ =	shalt  }
.Lfunc_end2:
_tile_overlayer_lowered:
.L_overlay_start_2:
0x85: {  	(tag) =	ssettag $0x2  }
0x86: {  	s0 =	rddreg [dreg:$0x0];
	s2 =	stileid.u32  }
0x87: {  	s1 =	rddreg [dreg:$0x1];
	p0 =	sne.s32 s2, $0x0  }
0x88: {  	s3 =	rddreg [dreg:$0x2];
	[bflag:$0x3] =	sbarrier.arrive $0xFFFF;
	s2 =	simm.s32 @!p0 $0x1C04  }
0x89: {  	[timem:s3], [sflag:s2] =	dma.local @!p0 [hbm:s0], s1  }
0x8a: {  	s0 =	simm.s32 @!p0 $0x4  }
0x8b: {  	_ =	swait.ge @!p0 [sflag:s0], s1  }
0x8c: {  	s1 =	ssub.s32 @!p0 $0x0, s1;
	[sflag:s0] =	ssyncset.done @!p0 $0x0  }
0x8d: {  	[sflag:s0] =	ssyncadd.s32 @!p0 s1  }
0x8e: {  	[bflag:$0x3] =	sbarrier.arrive $0xFFFF  }
0x8f: {  	_ =	shalt  }

</sc_bundles>
